<compile_context>
chip_gen: v7x
topology: tpu7x:2x2x1
jax: 0.10.2.dev20260603
libtpu: 0.0.44.dev20260713+nightly
codegen_flags: <defaults>
</compile_context>

<pallas_src>
import functools

import jax
import jax.numpy as jnp
from jax import lax
from jax.experimental import pallas as pl
from jax.experimental.pallas import tpu as pltpu
from jax.experimental.pallas import tpu_sc as plsc

N_NODES = 10000
N_EDGES = 320000
D_FEAT = 128
N_REL = 8

NC = 1
NS = 16
NW = NC * NS
EPT = N_EDGES // NW
CHUNK = 32
NCHUNK = EPT // CHUNK
NBUF = 5
G = 5
NG = NCHUNK // G
N_PAD = 10240
ROWS_PT = N_PAD // NS
FL = 624


def _tc_transform(feat, weight):
    def body(feat_ref, w_ref, out_ref):
        out_ref[...] = jnp.dot(feat_ref[...], w_ref[0],
                               preferred_element_type=jnp.float32)

    return pl.pallas_call(
        body,
        grid=(N_REL,),
        in_specs=[
            pl.BlockSpec((N_NODES, D_FEAT), lambda r: (0, 0)),
            pl.BlockSpec((1, D_FEAT, D_FEAT), lambda r: (r, 0, 0)),
        ],
        out_specs=pl.BlockSpec((N_NODES, D_FEAT), lambda r: (r, 0)),
        out_shape=jax.ShapeDtypeStruct((N_REL * N_NODES, D_FEAT),
                                       jnp.float32),
    )(feat, weight)


def _tc_index_prep(src2, et2):
    eb = N_EDGES // 128

    def body(src_ref, et_ref, out_ref):
        out_ref[...] = et_ref[...] * N_NODES + src_ref[...]

    return pl.pallas_call(
        body,
        in_specs=[
            pl.BlockSpec((eb, 128), lambda: (0, 0)),
            pl.BlockSpec((eb, 128), lambda: (0, 0)),
        ],
        out_specs=pl.BlockSpec((eb, 128), lambda: (0, 0)),
        out_shape=jax.ShapeDtypeStruct((eb, 128), jnp.int32),
    )(src2, et2)


def _sc_gather_scatter(table, idx4, dst4, zeros):
    mesh = plsc.VectorSubcoreMesh(core_axis_name="c", subcore_axis_name="s",
                                  num_cores=NC)

    @functools.partial(
        pl.kernel,
        out_type=jax.ShapeDtypeStruct((N_NODES, D_FEAT), jnp.float32),
        mesh=mesh,
        scratch_types=[
            pltpu.VMEM((4, G, CHUNK), jnp.int32),
            pltpu.VMEM((4, G, CHUNK), jnp.int32),
            pltpu.VMEM((NBUF, CHUNK, D_FEAT), jnp.float32),
            pltpu.VMEM_SHARED((N_PAD, D_FEAT), jnp.float32),
            pltpu.SemaphoreType.DMA((NBUF,)),
            pltpu.SemaphoreType.DMA,
        ],
    )
    def body(table_hbm, idx_hbm, dst_hbm, z_hbm, out_hbm,
             idxb, dstb, rows_v, acc, gsems, bsem):
        s = lax.axis_index("s")
        pltpu.sync_copy(idx_hbm.at[s, 0], idxb.at[0])
        pltpu.sync_copy(dst_hbm.at[s, 0], dstb.at[0])
        for b in range(NBUF):
            pltpu.async_copy(table_hbm.at[idxb.at[0, b]], rows_v.at[b],
                             gsems.at[b])
        pltpu.async_copy(idx_hbm.at[s, 1], idxb.at[1], bsem)
        pltpu.async_copy(dst_hbm.at[s, 1], dstb.at[1], bsem)
        pltpu.sync_copy(z_hbm, acc.at[pl.ds(s * ROWS_PT, ROWS_PT)])
        plsc.subcore_barrier()

        def group(g, carry):
            @pl.when(g + 1 < NG)
            def _():
                pltpu.make_async_copy(idx_hbm.at[s, g + 1],
                                      idxb.at[(g + 1) % 4], bsem).wait()
                pltpu.make_async_copy(dst_hbm.at[s, g + 1],
                                      dstb.at[(g + 1) % 4], bsem).wait()

            @pl.when(g + 2 < NG)
            def _():
                pltpu.async_copy(idx_hbm.at[s, g + 2],
                                 idxb.at[(g + 2) % 4], bsem)
                pltpu.async_copy(dst_hbm.at[s, g + 2],
                                 dstb.at[(g + 2) % 4], bsem)

            blk = g % 4
            for k in range(G):
                j = g * G + k
                b = k % NBUF
                pltpu.make_async_copy(table_hbm.at[idxb.at[blk, k]],
                                      rows_v.at[b], gsems.at[b]).wait()
                pltpu.sync_copy(rows_v.at[b], acc.at[dstb.at[blk, k]],
                                add=True)

                @pl.when(j + NBUF < NCHUNK)
                def _():
                    kk = k + NBUF
                    nblk = lax.select(kk < G, blk, (g + 1) % 4)
                    pltpu.async_copy(
                        table_hbm.at[idxb.at[nblk, kk % G]],
                        rows_v.at[b], gsems.at[b])
            return carry

        lax.fori_loop(0, NG, group, 0)
        plsc.subcore_barrier()
        pltpu.sync_copy(acc.at[pl.ds(s * FL, FL)],
                        out_hbm.at[pl.ds(s * FL, FL)])

        @pl.when(s == NS - 1)
        def _():
            pltpu.sync_copy(acc.at[pl.ds(NS * FL, N_NODES - NS * FL)],
                            out_hbm.at[pl.ds(NS * FL, N_NODES - NS * FL)])

    return body(table, idx4, dst4, zeros)


def kernel(feat, edge_index, etypes, weight):
    table = _tc_transform(feat, weight)
    src2 = edge_index[0].reshape(-1, 128)
    et2 = etypes.reshape(-1, 128)
    idx4 = _tc_index_prep(src2, et2).reshape(NS, NG, G, CHUNK)
    dst4 = edge_index[1].reshape(NS, NG, G, CHUNK)
    zeros = jnp.zeros((ROWS_PT, D_FEAT), jnp.float32)
    return _sc_gather_scatter(table, idx4, dst4, zeros)

# --- scband reference (transcript-rebuilt; emitter-appended) ---
"""Pipeline reference for scband-rgcnhigh-mem-13099650253292 (READ-ONLY COPY).

The authoritative reference and input builder live on the scoring server;
editing this copy changes nothing except your own understanding.
"""

import jax, jax.numpy as jnp
import numpy as np

N_NODES = 10000
N_EDGES = 320000
D_FEAT = 128
N_REL = 8


def setup_inputs(seed: int = 0) -> dict:
    key = jax.random.key(seed)
    k1, k2, k3, k4 = jax.random.split(key, 4)
    feat = jax.random.normal(k1, (N_NODES, D_FEAT), dtype=jnp.float32)
    edge_index = jax.random.randint(k2, (2, N_EDGES), 0, N_NODES, dtype=jnp.int32)
    etypes = jax.random.randint(k3, (N_EDGES,), 0, N_REL, dtype=jnp.int32)
    weight = jax.random.normal(k4, (N_REL, D_FEAT, D_FEAT), dtype=jnp.float32) * 0.05
    return {"feat": feat, "edge_index": edge_index, "etypes": etypes, "weight": weight}


def reference(feat, edge_index, etypes, weight):
    # RGCN message passing:
    #   m_e = h_src[e] @ W[etypes[e]]   (per-edge relation-specific transform)
    #   h_v = sum over incoming edges of m_e   (fn.sum aggregation)
    # Computed as per-relation node transforms followed by a (relation, src)
    # gather to avoid materializing an [E, D, D] weight tensor; math identical
    # to torch.bmm(edges.src['h'].unsqueeze(1), weight[etypes]).squeeze(1).
    src = edge_index[0]
    dst = edge_index[1]
    # [R, N, D]: every node transformed by every relation weight
    h_rel = jnp.einsum('nd,rdo->rno', feat, weight)
    # per-edge message gather: m[e] = h_rel[etypes[e], src[e]]
    m = h_rel[etypes, src]
    # scatter-sum messages into destination nodes
    out = jax.ops.segment_sum(m, dst, num_segments=feat.shape[0])
    return out

if __name__ == "__main__":
    import jax
    _d = setup_inputs()
    print(jax.jit(kernel)(*tuple(_d.values())))

</pallas_src>

<mosaic_0001>
#map = affine_map<(d0, d1) -> (0, 0)>
#map1 = affine_map<(d0, d1) -> (0, 0, 0, 0)>
module attributes {stable_mosaic.version = 14 : i64} {
  func.func @body(%arg0: i32, %arg1: i32, %arg2: memref<80000x128xf32, #tpu.memory_space<hbm>>, %arg3: memref<16x125x5x32xi32, #tpu.memory_space<hbm>>, %arg4: memref<16x125x5x32xi32, #tpu.memory_space<hbm>>, %arg5: memref<640x128xf32, #tpu.memory_space<hbm>>, %arg6: memref<10000x128xf32, #tpu.memory_space<hbm>>, %arg7: memref<4x5x32xi32, #tpu.memory_space<vmem>>, %arg8: memref<4x5x32xi32, #tpu.memory_space<vmem>>, %arg9: memref<5x32x128xf32, #tpu.memory_space<vmem>>, %arg10: memref<10240x128xf32, #tpu.memory_space<vmem_shared>>, %arg11: memref<5x!tpu.dma_semaphore, #tpu.memory_space<semaphore_mem>>, %arg12: memref<!tpu.dma_semaphore, #tpu.memory_space<semaphore_mem>>) attributes {dimension_semantics = [#tpu.dimension_semantics<core_parallel>, #tpu.dimension_semantics<subcore_parallel>], iteration_bounds = array<i64: 1, 16>, scalar_prefetch = 0 : i64, scratch_operands = 6 : i64, tpu.core_type = #tpu.core_type<sc_vector_subcore>, window_params = [{transform_indices = #map}, {transform_indices = #map1}, {transform_indices = #map1}, {transform_indices = #map}, {transform_indices = #map}]} {
    %run_scoped3A = arith.constant 0 : i32
    %run_scoped3A_0 = arith.constant 0 : i32
    "tpu.region"() ({
      %run_scoped3A_131 = tpu.sem_alloc : memref<!tpu.dma_semaphore, #tpu.memory_space<semaphore_mem>>
      %dma_start3A_132 = arith.constant 0 : i32
      %dma_start3A_133 = arith.constant 0 : i32
      %dma_start3A_134 = tpu.memref_slice %arg7[%run_scoped3A_0, %dma_start3A_132, %dma_start3A_133] : memref<4x5x32xi32, #tpu.memory_space<vmem>> -> memref<1x5x32xi32, #tpu.memory_space<vmem>>
      %dma_start3A_135 = tpu.memref_squeeze %dma_start3A_134 : memref<1x5x32xi32, #tpu.memory_space<vmem>> -> memref<5x32xi32, #tpu.memory_space<vmem>>
      %dma_start3A_136 = arith.constant 0 : i32
      %dma_start3A_137 = arith.constant 0 : i32
      %dma_start3A_138 = tpu.memref_slice %arg3[%arg1, %run_scoped3A, %dma_start3A_136, %dma_start3A_137] : memref<16x125x5x32xi32, #tpu.memory_space<hbm>> -> memref<1x1x5x32xi32, #tpu.memory_space<hbm>>
      %dma_start3A_139 = tpu.memref_squeeze %dma_start3A_138 : memref<1x1x5x32xi32, #tpu.memory_space<hbm>> -> memref<5x32xi32, #tpu.memory_space<hbm>>
      %dma_start3A_140 = arith.constant 0 : i32
      %dma_start3A_141 = arith.constant 0 : i32
      %dma_start3A_142 = tpu.memref_slice %arg7[%run_scoped3A_0, %dma_start3A_140, %dma_start3A_141] : memref<4x5x32xi32, #tpu.memory_space<vmem>> -> memref<1x5x32xi32, #tpu.memory_space<vmem>>
      %dma_start3A_143 = tpu.memref_squeeze %dma_start3A_142 : memref<1x5x32xi32, #tpu.memory_space<vmem>> -> memref<5x32xi32, #tpu.memory_space<vmem>>
      %dma_start3A_144 = arith.constant 0 : i32
      %dma_start3A_145 = arith.constant 0 : i32
      %dma_start3A_146 = tpu.memref_slice %arg3[%arg1, %run_scoped3A, %dma_start3A_144, %dma_start3A_145] : memref<16x125x5x32xi32, #tpu.memory_space<hbm>> -> memref<1x1x5x32xi32, #tpu.memory_space<hbm>>
      %dma_start3A_147 = tpu.memref_squeeze %dma_start3A_146 : memref<1x1x5x32xi32, #tpu.memory_space<hbm>> -> memref<5x32xi32, #tpu.memory_space<hbm>>
      tpu.enqueue_dma source(%dma_start3A_147 : memref<5x32xi32, #tpu.memory_space<hbm>>) target(%dma_start3A_143 : memref<5x32xi32, #tpu.memory_space<vmem>>) target_semaphore(%run_scoped3A_131 : memref<!tpu.dma_semaphore, #tpu.memory_space<semaphore_mem>>)
      %dma_wait3A = arith.constant 0 : i32
      %dma_wait3A_148 = arith.constant 0 : i32
      %dma_wait3A_149 = tpu.memref_slice %arg7[%run_scoped3A_0, %dma_wait3A, %dma_wait3A_148] : memref<4x5x32xi32, #tpu.memory_space<vmem>> -> memref<1x5x32xi32, #tpu.memory_space<vmem>>
      %dma_wait3A_150 = tpu.memref_squeeze %dma_wait3A_149 : memref<1x5x32xi32, #tpu.memory_space<vmem>> -> memref<5x32xi32, #tpu.memory_space<vmem>>
      %dma_wait3A_151 = arith.constant 0 : i32
      %dma_wait3A_152 = arith.constant 0 : i32
      %dma_wait3A_153 = tpu.memref_slice %arg3[%arg1, %run_scoped3A, %dma_wait3A_151, %dma_wait3A_152] : memref<16x125x5x32xi32, #tpu.memory_space<hbm>> -> memref<1x1x5x32xi32, #tpu.memory_space<hbm>>
      %dma_wait3A_154 = tpu.memref_squeeze %dma_wait3A_153 : memref<1x1x5x32xi32, #tpu.memory_space<hbm>> -> memref<5x32xi32, #tpu.memory_space<hbm>>
      %dma_wait3A_155 = arith.constant 0 : i32
      %dma_wait3A_156 = arith.constant 0 : i32
      %dma_wait3A_157 = tpu.memref_slice %arg7[%run_scoped3A_0, %dma_wait3A_155, %dma_wait3A_156] : memref<4x5x32xi32, #tpu.memory_space<vmem>> -> memref<1x5x32xi32, #tpu.memory_space<vmem>>
      %dma_wait3A_158 = tpu.memref_squeeze %dma_wait3A_157 : memref<1x5x32xi32, #tpu.memory_space<vmem>> -> memref<5x32xi32, #tpu.memory_space<vmem>>
      %dma_wait3A_159 = arith.constant 0 : i32
      %dma_wait3A_160 = arith.constant 0 : i32
      %dma_wait3A_161 = tpu.memref_slice %arg3[%arg1, %run_scoped3A, %dma_wait3A_159, %dma_wait3A_160] : memref<16x125x5x32xi32, #tpu.memory_space<hbm>> -> memref<1x1x5x32xi32, #tpu.memory_space<hbm>>
      %dma_wait3A_162 = tpu.memref_squeeze %dma_wait3A_161 : memref<1x1x5x32xi32, #tpu.memory_space<hbm>> -> memref<5x32xi32, #tpu.memory_space<hbm>>
      tpu.wait_dma2 semaphore(%run_scoped3A_131 : memref<!tpu.dma_semaphore, #tpu.memory_space<semaphore_mem>>) src(%dma_wait3A_162 : memref<5x32xi32, #tpu.memory_space<hbm>>) dst(%dma_wait3A_158 : memref<5x32xi32, #tpu.memory_space<vmem>>)
      tpu.yield
    }) : () -> ()
    %run_scoped3A_1 = arith.constant 0 : i32
    %run_scoped3A_2 = arith.constant 0 : i32
    "tpu.region"() ({
      %run_scoped3A_131 = tpu.sem_alloc : memref<!tpu.dma_semaphore, #tpu.memory_space<semaphore_mem>>
      %dma_start3A_132 = arith.constant 0 : i32
      %dma_start3A_133 = arith.constant 0 : i32
      %dma_start3A_134 = tpu.memref_slice %arg8[%run_scoped3A_2, %dma_start3A_132, %dma_start3A_133] : memref<4x5x32xi32, #tpu.memory_space<vmem>> -> memref<1x5x32xi32, #tpu.memory_space<vmem>>
      %dma_start3A_135 = tpu.memref_squeeze %dma_start3A_134 : memref<1x5x32xi32, #tpu.memory_space<vmem>> -> memref<5x32xi32, #tpu.memory_space<vmem>>
      %dma_start3A_136 = arith.constant 0 : i32
      %dma_start3A_137 = arith.constant 0 : i32
      %dma_start3A_138 = tpu.memref_slice %arg4[%arg1, %run_scoped3A_1, %dma_start3A_136, %dma_start3A_137] : memref<16x125x5x32xi32, #tpu.memory_space<hbm>> -> memref<1x1x5x32xi32, #tpu.memory_space<hbm>>
      %dma_start3A_139 = tpu.memref_squeeze %dma_start3A_138 : memref<1x1x5x32xi32, #tpu.memory_space<hbm>> -> memref<5x32xi32, #tpu.memory_space<hbm>>
      %dma_start3A_140 = arith.constant 0 : i32
      %dma_start3A_141 = arith.constant 0 : i32
      %dma_start3A_142 = tpu.memref_slice %arg8[%run_scoped3A_2, %dma_start3A_140, %dma_start3A_141] : memref<4x5x32xi32, #tpu.memory_space<vmem>> -> memref<1x5x32xi32, #tpu.memory_space<vmem>>
      %dma_start3A_143 = tpu.memref_squeeze %dma_start3A_142 : memref<1x5x32xi32, #tpu.memory_space<vmem>> -> memref<5x32xi32, #tpu.memory_space<vmem>>
      %dma_start3A_144 = arith.constant 0 : i32
      %dma_start3A_145 = arith.constant 0 : i32
      %dma_start3A_146 = tpu.memref_slice %arg4[%arg1, %run_scoped3A_1, %dma_start3A_144, %dma_start3A_145] : memref<16x125x5x32xi32, #tpu.memory_space<hbm>> -> memref<1x1x5x32xi32, #tpu.memory_space<hbm>>
      %dma_start3A_147 = tpu.memref_squeeze %dma_start3A_146 : memref<1x1x5x32xi32, #tpu.memory_space<hbm>> -> memref<5x32xi32, #tpu.memory_space<hbm>>
      tpu.enqueue_dma source(%dma_start3A_147 : memref<5x32xi32, #tpu.memory_space<hbm>>) target(%dma_start3A_143 : memref<5x32xi32, #tpu.memory_space<vmem>>) target_semaphore(%run_scoped3A_131 : memref<!tpu.dma_semaphore, #tpu.memory_space<semaphore_mem>>)
      %dma_wait3A = arith.constant 0 : i32
      %dma_wait3A_148 = arith.constant 0 : i32
      %dma_wait3A_149 = tpu.memref_slice %arg8[%run_scoped3A_2, %dma_wait3A, %dma_wait3A_148] : memref<4x5x32xi32, #tpu.memory_space<vmem>> -> memref<1x5x32xi32, #tpu.memory_space<vmem>>
      %dma_wait3A_150 = tpu.memref_squeeze %dma_wait3A_149 : memref<1x5x32xi32, #tpu.memory_space<vmem>> -> memref<5x32xi32, #tpu.memory_space<vmem>>
      %dma_wait3A_151 = arith.constant 0 : i32
      %dma_wait3A_152 = arith.constant 0 : i32
      %dma_wait3A_153 = tpu.memref_slice %arg4[%arg1, %run_scoped3A_1, %dma_wait3A_151, %dma_wait3A_152] : memref<16x125x5x32xi32, #tpu.memory_space<hbm>> -> memref<1x1x5x32xi32, #tpu.memory_space<hbm>>
      %dma_wait3A_154 = tpu.memref_squeeze %dma_wait3A_153 : memref<1x1x5x32xi32, #tpu.memory_space<hbm>> -> memref<5x32xi32, #tpu.memory_space<hbm>>
      %dma_wait3A_155 = arith.constant 0 : i32
      %dma_wait3A_156 = arith.constant 0 : i32
      %dma_wait3A_157 = tpu.memref_slice %arg8[%run_scoped3A_2, %dma_wait3A_155, %dma_wait3A_156] : memref<4x5x32xi32, #tpu.memory_space<vmem>> -> memref<1x5x32xi32, #tpu.memory_space<vmem>>
      %dma_wait3A_158 = tpu.memref_squeeze %dma_wait3A_157 : memref<1x5x32xi32, #tpu.memory_space<vmem>> -> memref<5x32xi32, #tpu.memory_space<vmem>>
      %dma_wait3A_159 = arith.constant 0 : i32
      %dma_wait3A_160 = arith.constant 0 : i32
      %dma_wait3A_161 = tpu.memref_slice %arg4[%arg1, %run_scoped3A_1, %dma_wait3A_159, %dma_wait3A_160] : memref<16x125x5x32xi32, #tpu.memory_space<hbm>> -> memref<1x1x5x32xi32, #tpu.memory_space<hbm>>
      %dma_wait3A_162 = tpu.memref_squeeze %dma_wait3A_161 : memref<1x1x5x32xi32, #tpu.memory_space<hbm>> -> memref<5x32xi32, #tpu.memory_space<hbm>>
      tpu.wait_dma2 semaphore(%run_scoped3A_131 : memref<!tpu.dma_semaphore, #tpu.memory_space<semaphore_mem>>) src(%dma_wait3A_162 : memref<5x32xi32, #tpu.memory_space<hbm>>) dst(%dma_wait3A_158 : memref<5x32xi32, #tpu.memory_space<vmem>>)
      tpu.yield
    }) : () -> ()
    %dma_start3A = arith.constant 0 : i32
    %dma_start3A_3 = arith.constant 0 : i32
    %dma_start3A_4 = arith.constant 0 : i32
    %dma_start3A_5 = arith.constant 0 : i32
    %dma_start3A_6 = arith.constant 0 : i32
    %dma_start3A_7 = arith.constant 0 : i32
    %dma_start3A_8 = tpu.memref_slice %arg9[%dma_start3A_4, %dma_start3A_6, %dma_start3A_7] : memref<5x32x128xf32, #tpu.memory_space<vmem>> -> memref<1x32x128xf32, #tpu.memory_space<vmem>>
    %dma_start3A_9 = tpu.memref_squeeze %dma_start3A_8 : memref<1x32x128xf32, #tpu.memory_space<vmem>> -> memref<32x128xf32, #tpu.memory_space<vmem>>
    %dma_start3A_10 = arith.constant 0 : i32
    %dma_start3A_11 = tpu.memref_slice %arg7[%dma_start3A, %dma_start3A_3, %dma_start3A_10] : memref<4x5x32xi32, #tpu.memory_space<vmem>> -> memref<1x1x32xi32, #tpu.memory_space<vmem>>
    %dma_start3A_12 = tpu.memref_squeeze %dma_start3A_11 : memref<1x1x32xi32, #tpu.memory_space<vmem>> -> memref<32xi32, #tpu.memory_space<vmem>>
    %dma_start3A_13 = arith.constant 0 : i32
    %dma_start3A_14 = arith.constant 0 : i32
    %dma_start3A_15 = tpu.memref_slice %arg2[%dma_start3A_13, %dma_start3A_14] : memref<80000x128xf32, #tpu.memory_space<hbm>> -> memref<80000x128xf32, #tpu.memory_space<hbm>>
    %dma_start3A_16 = tpu.memref_slice %arg11[%dma_start3A_5] : memref<5x!tpu.dma_semaphore, #tpu.memory_space<semaphore_mem>> -> memref<1x!tpu.dma_semaphore, #tpu.memory_space<semaphore_mem>>
    %dma_start3A_17 = tpu.memref_squeeze %dma_start3A_16 : memref<1x!tpu.dma_semaphore, #tpu.memory_space<semaphore_mem>> -> memref<!tpu.dma_semaphore, #tpu.memory_space<semaphore_mem>>
    tpu.enqueue_indirect_dma source(%dma_start3A_15 : memref<80000x128xf32, #tpu.memory_space<hbm>>) target(%dma_start3A_9 : memref<32x128xf32, #tpu.memory_space<vmem>>) offsets(%dma_start3A_12 : memref<32xi32, #tpu.memory_space<vmem>>) semaphore(%dma_start3A_17 : memref<!tpu.dma_semaphore, #tpu.memory_space<semaphore_mem>>)
    %dma_start3A_18 = arith.constant 0 : i32
    %dma_start3A_19 = arith.constant 1 : i32
    %dma_start3A_20 = arith.constant 1 : i32
    %dma_start3A_21 = arith.constant 1 : i32
    %dma_start3A_22 = arith.constant 0 : i32
    %dma_start3A_23 = arith.constant 0 : i32
    %dma_start3A_24 = tpu.memref_slice %arg9[%dma_start3A_20, %dma_start3A_22, %dma_start3A_23] : memref<5x32x128xf32, #tpu.memory_space<vmem>> -> memref<1x32x128xf32, #tpu.memory_space<vmem>>
    %dma_start3A_25 = tpu.memref_squeeze %dma_start3A_24 : memref<1x32x128xf32, #tpu.memory_space<vmem>> -> memref<32x128xf32, #tpu.memory_space<vmem>>
    %dma_start3A_26 = arith.constant 0 : i32
    %dma_start3A_27 = tpu.memref_slice %arg7[%dma_start3A_18, %dma_start3A_19, %dma_start3A_26] : memref<4x5x32xi32, #tpu.memory_space<vmem>> -> memref<1x1x32xi32, #tpu.memory_space<vmem>>
    %dma_start3A_28 = tpu.memref_squeeze %dma_start3A_27 : memref<1x1x32xi32, #tpu.memory_space<vmem>> -> memref<32xi32, #tpu.memory_space<vmem>>
    %dma_start3A_29 = arith.constant 0 : i32
    %dma_start3A_30 = arith.constant 0 : i32
    %dma_start3A_31 = tpu.memref_slice %arg2[%dma_start3A_29, %dma_start3A_30] : memref<80000x128xf32, #tpu.memory_space<hbm>> -> memref<80000x128xf32, #tpu.memory_space<hbm>>
    %dma_start3A_32 = tpu.memref_slice %arg11[%dma_start3A_21] : memref<5x!tpu.dma_semaphore, #tpu.memory_space<semaphore_mem>> -> memref<1x!tpu.dma_semaphore, #tpu.memory_space<semaphore_mem>>
    %dma_start3A_33 = tpu.memref_squeeze %dma_start3A_32 : memref<1x!tpu.dma_semaphore, #tpu.memory_space<semaphore_mem>> -> memref<!tpu.dma_semaphore, #tpu.memory_space<semaphore_mem>>
    tpu.enqueue_indirect_dma source(%dma_start3A_31 : memref<80000x128xf32, #tpu.memory_space<hbm>>) target(%dma_start3A_25 : memref<32x128xf32, #tpu.memory_space<vmem>>) offsets(%dma_start3A_28 : memref<32xi32, #tpu.memory_space<vmem>>) semaphore(%dma_start3A_33 : memref<!tpu.dma_semaphore, #tpu.memory_space<semaphore_mem>>)
    %dma_start3A_34 = arith.constant 0 : i32
    %dma_start3A_35 = arith.constant 2 : i32
    %dma_start3A_36 = arith.constant 2 : i32
    %dma_start3A_37 = arith.constant 2 : i32
    %dma_start3A_38 = arith.constant 0 : i32
    %dma_start3A_39 = arith.constant 0 : i32
    %dma_start3A_40 = tpu.memref_slice %arg9[%dma_start3A_36, %dma_start3A_38, %dma_start3A_39] : memref<5x32x128xf32, #tpu.memory_space<vmem>> -> memref<1x32x128xf32, #tpu.memory_space<vmem>>
    %dma_start3A_41 = tpu.memref_squeeze %dma_start3A_40 : memref<1x32x128xf32, #tpu.memory_space<vmem>> -> memref<32x128xf32, #tpu.memory_space<vmem>>
    %dma_start3A_42 = arith.constant 0 : i32
    %dma_start3A_43 = tpu.memref_slice %arg7[%dma_start3A_34, %dma_start3A_35, %dma_start3A_42] : memref<4x5x32xi32, #tpu.memory_space<vmem>> -> memref<1x1x32xi32, #tpu.memory_space<vmem>>
    %dma_start3A_44 = tpu.memref_squeeze %dma_start3A_43 : memref<1x1x32xi32, #tpu.memory_space<vmem>> -> memref<32xi32, #tpu.memory_space<vmem>>
    %dma_start3A_45 = arith.constant 0 : i32
    %dma_start3A_46 = arith.constant 0 : i32
    %dma_start3A_47 = tpu.memref_slice %arg2[%dma_start3A_45, %dma_start3A_46] : memref<80000x128xf32, #tpu.memory_space<hbm>> -> memref<80000x128xf32, #tpu.memory_space<hbm>>
    %dma_start3A_48 = tpu.memref_slice %arg11[%dma_start3A_37] : memref<5x!tpu.dma_semaphore, #tpu.memory_space<semaphore_mem>> -> memref<1x!tpu.dma_semaphore, #tpu.memory_space<semaphore_mem>>
    %dma_start3A_49 = tpu.memref_squeeze %dma_start3A_48 : memref<1x!tpu.dma_semaphore, #tpu.memory_space<semaphore_mem>> -> memref<!tpu.dma_semaphore, #tpu.memory_space<semaphore_mem>>
    tpu.enqueue_indirect_dma source(%dma_start3A_47 : memref<80000x128xf32, #tpu.memory_space<hbm>>) target(%dma_start3A_41 : memref<32x128xf32, #tpu.memory_space<vmem>>) offsets(%dma_start3A_44 : memref<32xi32, #tpu.memory_space<vmem>>) semaphore(%dma_start3A_49 : memref<!tpu.dma_semaphore, #tpu.memory_space<semaphore_mem>>)
    %dma_start3A_50 = arith.constant 0 : i32
    %dma_start3A_51 = arith.constant 3 : i32
    %dma_start3A_52 = arith.constant 3 : i32
    %dma_start3A_53 = arith.constant 3 : i32
    %dma_start3A_54 = arith.constant 0 : i32
    %dma_start3A_55 = arith.constant 0 : i32
    %dma_start3A_56 = tpu.memref_slice %arg9[%dma_start3A_52, %dma_start3A_54, %dma_start3A_55] : memref<5x32x128xf32, #tpu.memory_space<vmem>> -> memref<1x32x128xf32, #tpu.memory_space<vmem>>
    %dma_start3A_57 = tpu.memref_squeeze %dma_start3A_56 : memref<1x32x128xf32, #tpu.memory_space<vmem>> -> memref<32x128xf32, #tpu.memory_space<vmem>>
    %dma_start3A_58 = arith.constant 0 : i32
    %dma_start3A_59 = tpu.memref_slice %arg7[%dma_start3A_50, %dma_start3A_51, %dma_start3A_58] : memref<4x5x32xi32, #tpu.memory_space<vmem>> -> memref<1x1x32xi32, #tpu.memory_space<vmem>>
    %dma_start3A_60 = tpu.memref_squeeze %dma_start3A_59 : memref<1x1x32xi32, #tpu.memory_space<vmem>> -> memref<32xi32, #tpu.memory_space<vmem>>
    %dma_start3A_61 = arith.constant 0 : i32
    %dma_start3A_62 = arith.constant 0 : i32
    %dma_start3A_63 = tpu.memref_slice %arg2[%dma_start3A_61, %dma_start3A_62] : memref<80000x128xf32, #tpu.memory_space<hbm>> -> memref<80000x128xf32, #tpu.memory_space<hbm>>
    %dma_start3A_64 = tpu.memref_slice %arg11[%dma_start3A_53] : memref<5x!tpu.dma_semaphore, #tpu.memory_space<semaphore_mem>> -> memref<1x!tpu.dma_semaphore, #tpu.memory_space<semaphore_mem>>
    %dma_start3A_65 = tpu.memref_squeeze %dma_start3A_64 : memref<1x!tpu.dma_semaphore, #tpu.memory_space<semaphore_mem>> -> memref<!tpu.dma_semaphore, #tpu.memory_space<semaphore_mem>>
    tpu.enqueue_indirect_dma source(%dma_start3A_63 : memref<80000x128xf32, #tpu.memory_space<hbm>>) target(%dma_start3A_57 : memref<32x128xf32, #tpu.memory_space<vmem>>) offsets(%dma_start3A_60 : memref<32xi32, #tpu.memory_space<vmem>>) semaphore(%dma_start3A_65 : memref<!tpu.dma_semaphore, #tpu.memory_space<semaphore_mem>>)
    %dma_start3A_66 = arith.constant 0 : i32
    %dma_start3A_67 = arith.constant 4 : i32
    %dma_start3A_68 = arith.constant 4 : i32
    %dma_start3A_69 = arith.constant 4 : i32
    %dma_start3A_70 = arith.constant 0 : i32
    %dma_start3A_71 = arith.constant 0 : i32
    %dma_start3A_72 = tpu.memref_slice %arg9[%dma_start3A_68, %dma_start3A_70, %dma_start3A_71] : memref<5x32x128xf32, #tpu.memory_space<vmem>> -> memref<1x32x128xf32, #tpu.memory_space<vmem>>
    %dma_start3A_73 = tpu.memref_squeeze %dma_start3A_72 : memref<1x32x128xf32, #tpu.memory_space<vmem>> -> memref<32x128xf32, #tpu.memory_space<vmem>>
    %dma_start3A_74 = arith.constant 0 : i32
    %dma_start3A_75 = tpu.memref_slice %arg7[%dma_start3A_66, %dma_start3A_67, %dma_start3A_74] : memref<4x5x32xi32, #tpu.memory_space<vmem>> -> memref<1x1x32xi32, #tpu.memory_space<vmem>>
    %dma_start3A_76 = tpu.memref_squeeze %dma_start3A_75 : memref<1x1x32xi32, #tpu.memory_space<vmem>> -> memref<32xi32, #tpu.memory_space<vmem>>
    %dma_start3A_77 = arith.constant 0 : i32
    %dma_start3A_78 = arith.constant 0 : i32
    %dma_start3A_79 = tpu.memref_slice %arg2[%dma_start3A_77, %dma_start3A_78] : memref<80000x128xf32, #tpu.memory_space<hbm>> -> memref<80000x128xf32, #tpu.memory_space<hbm>>
    %dma_start3A_80 = tpu.memref_slice %arg11[%dma_start3A_69] : memref<5x!tpu.dma_semaphore, #tpu.memory_space<semaphore_mem>> -> memref<1x!tpu.dma_semaphore, #tpu.memory_space<semaphore_mem>>
    %dma_start3A_81 = tpu.memref_squeeze %dma_start3A_80 : memref<1x!tpu.dma_semaphore, #tpu.memory_space<semaphore_mem>> -> memref<!tpu.dma_semaphore, #tpu.memory_space<semaphore_mem>>
    tpu.enqueue_indirect_dma source(%dma_start3A_79 : memref<80000x128xf32, #tpu.memory_space<hbm>>) target(%dma_start3A_73 : memref<32x128xf32, #tpu.memory_space<vmem>>) offsets(%dma_start3A_76 : memref<32xi32, #tpu.memory_space<vmem>>) semaphore(%dma_start3A_81 : memref<!tpu.dma_semaphore, #tpu.memory_space<semaphore_mem>>)
    %dma_start3A_82 = arith.constant 1 : i32
    %dma_start3A_83 = arith.constant 1 : i32
    %dma_start3A_84 = arith.constant 0 : i32
    %dma_start3A_85 = arith.constant 0 : i32
    %dma_start3A_86 = tpu.memref_slice %arg7[%dma_start3A_83, %dma_start3A_84, %dma_start3A_85] : memref<4x5x32xi32, #tpu.memory_space<vmem>> -> memref<1x5x32xi32, #tpu.memory_space<vmem>>
    %dma_start3A_87 = tpu.memref_squeeze %dma_start3A_86 : memref<1x5x32xi32, #tpu.memory_space<vmem>> -> memref<5x32xi32, #tpu.memory_space<vmem>>
    %dma_start3A_88 = arith.constant 0 : i32
    %dma_start3A_89 = arith.constant 0 : i32
    %dma_start3A_90 = tpu.memref_slice %arg3[%arg1, %dma_start3A_82, %dma_start3A_88, %dma_start3A_89] : memref<16x125x5x32xi32, #tpu.memory_space<hbm>> -> memref<1x1x5x32xi32, #tpu.memory_space<hbm>>
    %dma_start3A_91 = tpu.memref_squeeze %dma_start3A_90 : memref<1x1x5x32xi32, #tpu.memory_space<hbm>> -> memref<5x32xi32, #tpu.memory_space<hbm>>
    %dma_start3A_92 = arith.constant 0 : i32
    %dma_start3A_93 = arith.constant 0 : i32
    %dma_start3A_94 = tpu.memref_slice %arg7[%dma_start3A_83, %dma_start3A_92, %dma_start3A_93] : memref<4x5x32xi32, #tpu.memory_space<vmem>> -> memref<1x5x32xi32, #tpu.memory_space<vmem>>
    %dma_start3A_95 = tpu.memref_squeeze %dma_start3A_94 : memref<1x5x32xi32, #tpu.memory_space<vmem>> -> memref<5x32xi32, #tpu.memory_space<vmem>>
    %dma_start3A_96 = arith.constant 0 : i32
    %dma_start3A_97 = arith.constant 0 : i32
    %dma_start3A_98 = tpu.memref_slice %arg3[%arg1, %dma_start3A_82, %dma_start3A_96, %dma_start3A_97] : memref<16x125x5x32xi32, #tpu.memory_space<hbm>> -> memref<1x1x5x32xi32, #tpu.memory_space<hbm>>
    %dma_start3A_99 = tpu.memref_squeeze %dma_start3A_98 : memref<1x1x5x32xi32, #tpu.memory_space<hbm>> -> memref<5x32xi32, #tpu.memory_space<hbm>>
    tpu.enqueue_dma source(%dma_start3A_99 : memref<5x32xi32, #tpu.memory_space<hbm>>) target(%dma_start3A_95 : memref<5x32xi32, #tpu.memory_space<vmem>>) target_semaphore(%arg12 : memref<!tpu.dma_semaphore, #tpu.memory_space<semaphore_mem>>)
    %dma_start3A_100 = arith.constant 1 : i32
    %dma_start3A_101 = arith.constant 1 : i32
    %dma_start3A_102 = arith.constant 0 : i32
    %dma_start3A_103 = arith.constant 0 : i32
    %dma_start3A_104 = tpu.memref_slice %arg8[%dma_start3A_101, %dma_start3A_102, %dma_start3A_103] : memref<4x5x32xi32, #tpu.memory_space<vmem>> -> memref<1x5x32xi32, #tpu.memory_space<vmem>>
    %dma_start3A_105 = tpu.memref_squeeze %dma_start3A_104 : memref<1x5x32xi32, #tpu.memory_space<vmem>> -> memref<5x32xi32, #tpu.memory_space<vmem>>
    %dma_start3A_106 = arith.constant 0 : i32
    %dma_start3A_107 = arith.constant 0 : i32
    %dma_start3A_108 = tpu.memref_slice %arg4[%arg1, %dma_start3A_100, %dma_start3A_106, %dma_start3A_107] : memref<16x125x5x32xi32, #tpu.memory_space<hbm>> -> memref<1x1x5x32xi32, #tpu.memory_space<hbm>>
    %dma_start3A_109 = tpu.memref_squeeze %dma_start3A_108 : memref<1x1x5x32xi32, #tpu.memory_space<hbm>> -> memref<5x32xi32, #tpu.memory_space<hbm>>
    %dma_start3A_110 = arith.constant 0 : i32
    %dma_start3A_111 = arith.constant 0 : i32
    %dma_start3A_112 = tpu.memref_slice %arg8[%dma_start3A_101, %dma_start3A_110, %dma_start3A_111] : memref<4x5x32xi32, #tpu.memory_space<vmem>> -> memref<1x5x32xi32, #tpu.memory_space<vmem>>
    %dma_start3A_113 = tpu.memref_squeeze %dma_start3A_112 : memref<1x5x32xi32, #tpu.memory_space<vmem>> -> memref<5x32xi32, #tpu.memory_space<vmem>>
    %dma_start3A_114 = arith.constant 0 : i32
    %dma_start3A_115 = arith.constant 0 : i32
    %dma_start3A_116 = tpu.memref_slice %arg4[%arg1, %dma_start3A_100, %dma_start3A_114, %dma_start3A_115] : memref<16x125x5x32xi32, #tpu.memory_space<hbm>> -> memref<1x1x5x32xi32, #tpu.memory_space<hbm>>
    %dma_start3A_117 = tpu.memref_squeeze %dma_start3A_116 : memref<1x1x5x32xi32, #tpu.memory_space<hbm>> -> memref<5x32xi32, #tpu.memory_space<hbm>>
    tpu.enqueue_dma source(%dma_start3A_117 : memref<5x32xi32, #tpu.memory_space<hbm>>) target(%dma_start3A_113 : memref<5x32xi32, #tpu.memory_space<vmem>>) target_semaphore(%arg12 : memref<!tpu.dma_semaphore, #tpu.memory_space<semaphore_mem>>)
    %mul3A = arith.constant 640 : i32
    %mul3A_118 = arith.muli %arg1, %mul3A : i32
    "tpu.region"() ({
      %run_scoped3A_131 = tpu.sem_alloc : memref<!tpu.dma_semaphore, #tpu.memory_space<semaphore_mem>>
      %dma_start3A_132 = arith.constant 0 : i32
      %dma_start3A_133 = tpu.memref_slice %arg10[%mul3A_118, %dma_start3A_132] : memref<10240x128xf32, #tpu.memory_space<vmem_shared>> -> memref<640x128xf32, #tpu.memory_space<vmem_shared>>
      tpu.enqueue_dma source(%arg5 : memref<640x128xf32, #tpu.memory_space<hbm>>) target(%dma_start3A_133 : memref<640x128xf32, #tpu.memory_space<vmem_shared>>) target_semaphore(%run_scoped3A_131 : memref<!tpu.dma_semaphore, #tpu.memory_space<semaphore_mem>>)
      %dma_wait3A = arith.constant 0 : i32
      %dma_wait3A_134 = tpu.memref_slice %arg10[%mul3A_118, %dma_wait3A] : memref<10240x128xf32, #tpu.memory_space<vmem_shared>> -> memref<640x128xf32, #tpu.memory_space<vmem_shared>>
      tpu.wait_dma2 semaphore(%run_scoped3A_131 : memref<!tpu.dma_semaphore, #tpu.memory_space<semaphore_mem>>) src(%arg5 : memref<640x128xf32, #tpu.memory_space<hbm>>) dst(%dma_wait3A_134 : memref<640x128xf32, #tpu.memory_space<vmem_shared>>)
      tpu.yield
    }) : () -> ()
    %barrier3A = arith.constant 0 : index
    tpu.barrier barrier_id(%barrier3A)
    %scan3A = arith.constant 0 : i32
    %scan3A_119 = arith.constant 0 : i32
    %scan3A_120 = arith.constant 125 : i32
    %scan3A_121 = arith.addi %scan3A_119, %scan3A_120 : i32
    %scan3A_122 = arith.constant 1 : i32
    scf.for %scan3A_131 = %scan3A_119 to %scan3A_121 step %scan3A_122  : i32 {
      %add3A = arith.constant 1 : i32
      %add3A_132 = arith.addi %scan3A_131, %add3A : i32
      %lt3A = arith.constant 125 : i32
      %lt3A_133 = arith.cmpi slt, %add3A_132, %lt3A : i32
      %convert_element_type3A_134 = arith.extui %lt3A_133 : i1 to i32
      %cond3A_135 = arith.constant 0 : i32
      %cond3A_136 = arith.cmpi ne, %convert_element_type3A_134, %cond3A_135 : i32
      scf.if %cond3A_136 {
        %add3A_294 = arith.constant 1 : i32
        %add3A_295 = arith.addi %scan3A_131, %add3A_294 : i32
        %add3A_296 = arith.constant 1 : i32
        %add3A_297 = arith.addi %scan3A_131, %add3A_296 : i32
        %jit3A_298 = arith.constant 4 : i32
        %eq3A_299 = arith.constant 0 : i32
        %eq3A_300 = arith.cmpi eq, %jit3A_298, %eq3A_299 : i32
        %jit3A_301 = arith.constant 1 : i32
        %select_n3A_302 = arith.select %eq3A_300, %jit3A_301, %jit3A_298 : i32
        %rem3A_303 = arith.remsi %add3A_297, %select_n3A_302 : i32
        %ne3A_304 = arith.constant 0 : i32
        %ne3A_305 = arith.cmpi ne, %rem3A_303, %ne3A_304 : i32
        %lt3A_306 = arith.constant 0 : i32
        %lt3A_307 = arith.cmpi slt, %rem3A_303, %lt3A_306 : i32
        %lt3A_308 = arith.constant 0 : i32
        %lt3A_309 = arith.cmpi slt, %select_n3A_302, %lt3A_308 : i32
        %ne3A_310 = arith.xori %lt3A_307, %lt3A_309 : i1
        %and3A_311 = arith.andi %ne3A_310, %ne3A_305 : i1
        %add3A_312 = arith.addi %rem3A_303, %select_n3A_302 : i32
        %select_n3A_313 = arith.select %and3A_311, %add3A_312, %rem3A_303 : i32
        %dma_wait3A_314 = arith.constant 0 : i32
        %dma_wait3A_315 = arith.constant 0 : i32
        %dma_wait3A_316 = tpu.memref_slice %arg7[%select_n3A_313, %dma_wait3A_314, %dma_wait3A_315] : memref<4x5x32xi32, #tpu.memory_space<vmem>> -> memref<1x5x32xi32, #tpu.memory_space<vmem>>
        %dma_wait3A_317 = tpu.memref_squeeze %dma_wait3A_316 : memref<1x5x32xi32, #tpu.memory_space<vmem>> -> memref<5x32xi32, #tpu.memory_space<vmem>>
        %dma_wait3A_318 = arith.constant 0 : i32
        %dma_wait3A_319 = arith.constant 0 : i32
        %dma_wait3A_320 = tpu.memref_slice %arg3[%arg1, %add3A_295, %dma_wait3A_318, %dma_wait3A_319] : memref<16x125x5x32xi32, #tpu.memory_space<hbm>> -> memref<1x1x5x32xi32, #tpu.memory_space<hbm>>
        %dma_wait3A_321 = tpu.memref_squeeze %dma_wait3A_320 : memref<1x1x5x32xi32, #tpu.memory_space<hbm>> -> memref<5x32xi32, #tpu.memory_space<hbm>>
        %dma_wait3A_322 = arith.constant 0 : i32
        %dma_wait3A_323 = arith.constant 0 : i32
        %dma_wait3A_324 = tpu.memref_slice %arg7[%select_n3A_313, %dma_wait3A_322, %dma_wait3A_323] : memref<4x5x32xi32, #tpu.memory_space<vmem>> -> memref<1x5x32xi32, #tpu.memory_space<vmem>>
        %dma_wait3A_325 = tpu.memref_squeeze %dma_wait3A_324 : memref<1x5x32xi32, #tpu.memory_space<vmem>> -> memref<5x32xi32, #tpu.memory_space<vmem>>
        %dma_wait3A_326 = arith.constant 0 : i32
        %dma_wait3A_327 = arith.constant 0 : i32
        %dma_wait3A_328 = tpu.memref_slice %arg3[%arg1, %add3A_295, %dma_wait3A_326, %dma_wait3A_327] : memref<16x125x5x32xi32, #tpu.memory_space<hbm>> -> memref<1x1x5x32xi32, #tpu.memory_space<hbm>>
        %dma_wait3A_329 = tpu.memref_squeeze %dma_wait3A_328 : memref<1x1x5x32xi32, #tpu.memory_space<hbm>> -> memref<5x32xi32, #tpu.memory_space<hbm>>
        tpu.wait_dma2 semaphore(%arg12 : memref<!tpu.dma_semaphore, #tpu.memory_space<semaphore_mem>>) src(%dma_wait3A_329 : memref<5x32xi32, #tpu.memory_space<hbm>>) dst(%dma_wait3A_325 : memref<5x32xi32, #tpu.memory_space<vmem>>)
        %add3A_330 = arith.constant 1 : i32
        %add3A_331 = arith.addi %scan3A_131, %add3A_330 : i32
        %add3A_332 = arith.constant 1 : i32
        %add3A_333 = arith.addi %scan3A_131, %add3A_332 : i32
        %jit3A_334 = arith.constant 4 : i32
        %eq3A_335 = arith.constant 0 : i32
        %eq3A_336 = arith.cmpi eq, %jit3A_334, %eq3A_335 : i32
        %jit3A_337 = arith.constant 1 : i32
        %select_n3A_338 = arith.select %eq3A_336, %jit3A_337, %jit3A_334 : i32
        %rem3A_339 = arith.remsi %add3A_333, %select_n3A_338 : i32
        %ne3A_340 = arith.constant 0 : i32
        %ne3A_341 = arith.cmpi ne, %rem3A_339, %ne3A_340 : i32
        %lt3A_342 = arith.constant 0 : i32
        %lt3A_343 = arith.cmpi slt, %rem3A_339, %lt3A_342 : i32
        %lt3A_344 = arith.constant 0 : i32
        %lt3A_345 = arith.cmpi slt, %select_n3A_338, %lt3A_344 : i32
        %ne3A_346 = arith.xori %lt3A_343, %lt3A_345 : i1
        %and3A_347 = arith.andi %ne3A_346, %ne3A_341 : i1
        %add3A_348 = arith.addi %rem3A_339, %select_n3A_338 : i32
        %select_n3A_349 = arith.select %and3A_347, %add3A_348, %rem3A_339 : i32
        %dma_wait3A_350 = arith.constant 0 : i32
        %dma_wait3A_351 = arith.constant 0 : i32
        %dma_wait3A_352 = tpu.memref_slice %arg8[%select_n3A_349, %dma_wait3A_350, %dma_wait3A_351] : memref<4x5x32xi32, #tpu.memory_space<vmem>> -> memref<1x5x32xi32, #tpu.memory_space<vmem>>
        %dma_wait3A_353 = tpu.memref_squeeze %dma_wait3A_352 : memref<1x5x32xi32, #tpu.memory_space<vmem>> -> memref<5x32xi32, #tpu.memory_space<vmem>>
        %dma_wait3A_354 = arith.constant 0 : i32
        %dma_wait3A_355 = arith.constant 0 : i32
        %dma_wait3A_356 = tpu.memref_slice %arg4[%arg1, %add3A_331, %dma_wait3A_354, %dma_wait3A_355] : memref<16x125x5x32xi32, #tpu.memory_space<hbm>> -> memref<1x1x5x32xi32, #tpu.memory_space<hbm>>
        %dma_wait3A_357 = tpu.memref_squeeze %dma_wait3A_356 : memref<1x1x5x32xi32, #tpu.memory_space<hbm>> -> memref<5x32xi32, #tpu.memory_space<hbm>>
        %dma_wait3A_358 = arith.constant 0 : i32
        %dma_wait3A_359 = arith.constant 0 : i32
        %dma_wait3A_360 = tpu.memref_slice %arg8[%select_n3A_349, %dma_wait3A_358, %dma_wait3A_359] : memref<4x5x32xi32, #tpu.memory_space<vmem>> -> memref<1x5x32xi32, #tpu.memory_space<vmem>>
        %dma_wait3A_361 = tpu.memref_squeeze %dma_wait3A_360 : memref<1x5x32xi32, #tpu.memory_space<vmem>> -> memref<5x32xi32, #tpu.memory_space<vmem>>
        %dma_wait3A_362 = arith.constant 0 : i32
        %dma_wait3A_363 = arith.constant 0 : i32
        %dma_wait3A_364 = tpu.memref_slice %arg4[%arg1, %add3A_331, %dma_wait3A_362, %dma_wait3A_363] : memref<16x125x5x32xi32, #tpu.memory_space<hbm>> -> memref<1x1x5x32xi32, #tpu.memory_space<hbm>>
        %dma_wait3A_365 = tpu.memref_squeeze %dma_wait3A_364 : memref<1x1x5x32xi32, #tpu.memory_space<hbm>> -> memref<5x32xi32, #tpu.memory_space<hbm>>
        tpu.wait_dma2 semaphore(%arg12 : memref<!tpu.dma_semaphore, #tpu.memory_space<semaphore_mem>>) src(%dma_wait3A_365 : memref<5x32xi32, #tpu.memory_space<hbm>>) dst(%dma_wait3A_361 : memref<5x32xi32, #tpu.memory_space<vmem>>)
      } else {
      }
      %add3A_137 = arith.constant 2 : i32
      %add3A_138 = arith.addi %scan3A_131, %add3A_137 : i32
      %lt3A_139 = arith.constant 125 : i32
      %lt3A_140 = arith.cmpi slt, %add3A_138, %lt3A_139 : i32
      %convert_element_type3A_141 = arith.extui %lt3A_140 : i1 to i32
      %cond3A_142 = arith.constant 0 : i32
      %cond3A_143 = arith.cmpi ne, %convert_element_type3A_141, %cond3A_142 : i32
      scf.if %cond3A_143 {
        %add3A_294 = arith.constant 2 : i32
        %add3A_295 = arith.addi %scan3A_131, %add3A_294 : i32
        %add3A_296 = arith.constant 2 : i32
        %add3A_297 = arith.addi %scan3A_131, %add3A_296 : i32
        %jit3A_298 = arith.constant 4 : i32
        %eq3A_299 = arith.constant 0 : i32
        %eq3A_300 = arith.cmpi eq, %jit3A_298, %eq3A_299 : i32
        %jit3A_301 = arith.constant 1 : i32
        %select_n3A_302 = arith.select %eq3A_300, %jit3A_301, %jit3A_298 : i32
        %rem3A_303 = arith.remsi %add3A_297, %select_n3A_302 : i32
        %ne3A_304 = arith.constant 0 : i32
        %ne3A_305 = arith.cmpi ne, %rem3A_303, %ne3A_304 : i32
        %lt3A_306 = arith.constant 0 : i32
        %lt3A_307 = arith.cmpi slt, %rem3A_303, %lt3A_306 : i32
        %lt3A_308 = arith.constant 0 : i32
        %lt3A_309 = arith.cmpi slt, %select_n3A_302, %lt3A_308 : i32
        %ne3A_310 = arith.xori %lt3A_307, %lt3A_309 : i1
        %and3A_311 = arith.andi %ne3A_310, %ne3A_305 : i1
        %add3A_312 = arith.addi %rem3A_303, %select_n3A_302 : i32
        %select_n3A_313 = arith.select %and3A_311, %add3A_312, %rem3A_303 : i32
        %dma_start3A_314 = arith.constant 0 : i32
        %dma_start3A_315 = arith.constant 0 : i32
        %dma_start3A_316 = tpu.memref_slice %arg7[%select_n3A_313, %dma_start3A_314, %dma_start3A_315] : memref<4x5x32xi32, #tpu.memory_space<vmem>> -> memref<1x5x32xi32, #tpu.memory_space<vmem>>
        %dma_start3A_317 = tpu.memref_squeeze %dma_start3A_316 : memref<1x5x32xi32, #tpu.memory_space<vmem>> -> memref<5x32xi32, #tpu.memory_space<vmem>>
        %dma_start3A_318 = arith.constant 0 : i32
        %dma_start3A_319 = arith.constant 0 : i32
        %dma_start3A_320 = tpu.memref_slice %arg3[%arg1, %add3A_295, %dma_start3A_318, %dma_start3A_319] : memref<16x125x5x32xi32, #tpu.memory_space<hbm>> -> memref<1x1x5x32xi32, #tpu.memory_space<hbm>>
        %dma_start3A_321 = tpu.memref_squeeze %dma_start3A_320 : memref<1x1x5x32xi32, #tpu.memory_space<hbm>> -> memref<5x32xi32, #tpu.memory_space<hbm>>
        %dma_start3A_322 = arith.constant 0 : i32
        %dma_start3A_323 = arith.constant 0 : i32
        %dma_start3A_324 = tpu.memref_slice %arg7[%select_n3A_313, %dma_start3A_322, %dma_start3A_323] : memref<4x5x32xi32, #tpu.memory_space<vmem>> -> memref<1x5x32xi32, #tpu.memory_space<vmem>>
        %dma_start3A_325 = tpu.memref_squeeze %dma_start3A_324 : memref<1x5x32xi32, #tpu.memory_space<vmem>> -> memref<5x32xi32, #tpu.memory_space<vmem>>
        %dma_start3A_326 = arith.constant 0 : i32
        %dma_start3A_327 = arith.constant 0 : i32
        %dma_start3A_328 = tpu.memref_slice %arg3[%arg1, %add3A_295, %dma_start3A_326, %dma_start3A_327] : memref<16x125x5x32xi32, #tpu.memory_space<hbm>> -> memref<1x1x5x32xi32, #tpu.memory_space<hbm>>
        %dma_start3A_329 = tpu.memref_squeeze %dma_start3A_328 : memref<1x1x5x32xi32, #tpu.memory_space<hbm>> -> memref<5x32xi32, #tpu.memory_space<hbm>>
        tpu.enqueue_dma source(%dma_start3A_329 : memref<5x32xi32, #tpu.memory_space<hbm>>) target(%dma_start3A_325 : memref<5x32xi32, #tpu.memory_space<vmem>>) target_semaphore(%arg12 : memref<!tpu.dma_semaphore, #tpu.memory_space<semaphore_mem>>)
        %add3A_330 = arith.constant 2 : i32
        %add3A_331 = arith.addi %scan3A_131, %add3A_330 : i32
        %add3A_332 = arith.constant 2 : i32
        %add3A_333 = arith.addi %scan3A_131, %add3A_332 : i32
        %jit3A_334 = arith.constant 4 : i32
        %eq3A_335 = arith.constant 0 : i32
        %eq3A_336 = arith.cmpi eq, %jit3A_334, %eq3A_335 : i32
        %jit3A_337 = arith.constant 1 : i32
        %select_n3A_338 = arith.select %eq3A_336, %jit3A_337, %jit3A_334 : i32
        %rem3A_339 = arith.remsi %add3A_333, %select_n3A_338 : i32
        %ne3A_340 = arith.constant 0 : i32
        %ne3A_341 = arith.cmpi ne, %rem3A_339, %ne3A_340 : i32
        %lt3A_342 = arith.constant 0 : i32
        %lt3A_343 = arith.cmpi slt, %rem3A_339, %lt3A_342 : i32
        %lt3A_344 = arith.constant 0 : i32
        %lt3A_345 = arith.cmpi slt, %select_n3A_338, %lt3A_344 : i32
        %ne3A_346 = arith.xori %lt3A_343, %lt3A_345 : i1
        %and3A_347 = arith.andi %ne3A_346, %ne3A_341 : i1
        %add3A_348 = arith.addi %rem3A_339, %select_n3A_338 : i32
        %select_n3A_349 = arith.select %and3A_347, %add3A_348, %rem3A_339 : i32
        %dma_start3A_350 = arith.constant 0 : i32
        %dma_start3A_351 = arith.constant 0 : i32
        %dma_start3A_352 = tpu.memref_slice %arg8[%select_n3A_349, %dma_start3A_350, %dma_start3A_351] : memref<4x5x32xi32, #tpu.memory_space<vmem>> -> memref<1x5x32xi32, #tpu.memory_space<vmem>>
        %dma_start3A_353 = tpu.memref_squeeze %dma_start3A_352 : memref<1x5x32xi32, #tpu.memory_space<vmem>> -> memref<5x32xi32, #tpu.memory_space<vmem>>
        %dma_start3A_354 = arith.constant 0 : i32
        %dma_start3A_355 = arith.constant 0 : i32
        %dma_start3A_356 = tpu.memref_slice %arg4[%arg1, %add3A_331, %dma_start3A_354, %dma_start3A_355] : memref<16x125x5x32xi32, #tpu.memory_space<hbm>> -> memref<1x1x5x32xi32, #tpu.memory_space<hbm>>
        %dma_start3A_357 = tpu.memref_squeeze %dma_start3A_356 : memref<1x1x5x32xi32, #tpu.memory_space<hbm>> -> memref<5x32xi32, #tpu.memory_space<hbm>>
        %dma_start3A_358 = arith.constant 0 : i32
        %dma_start3A_359 = arith.constant 0 : i32
        %dma_start3A_360 = tpu.memref_slice %arg8[%select_n3A_349, %dma_start3A_358, %dma_start3A_359] : memref<4x5x32xi32, #tpu.memory_space<vmem>> -> memref<1x5x32xi32, #tpu.memory_space<vmem>>
        %dma_start3A_361 = tpu.memref_squeeze %dma_start3A_360 : memref<1x5x32xi32, #tpu.memory_space<vmem>> -> memref<5x32xi32, #tpu.memory_space<vmem>>
        %dma_start3A_362 = arith.constant 0 : i32
        %dma_start3A_363 = arith.constant 0 : i32
        %dma_start3A_364 = tpu.memref_slice %arg4[%arg1, %add3A_331, %dma_start3A_362, %dma_start3A_363] : memref<16x125x5x32xi32, #tpu.memory_space<hbm>> -> memref<1x1x5x32xi32, #tpu.memory_space<hbm>>
        %dma_start3A_365 = tpu.memref_squeeze %dma_start3A_364 : memref<1x1x5x32xi32, #tpu.memory_space<hbm>> -> memref<5x32xi32, #tpu.memory_space<hbm>>
        tpu.enqueue_dma source(%dma_start3A_365 : memref<5x32xi32, #tpu.memory_space<hbm>>) target(%dma_start3A_361 : memref<5x32xi32, #tpu.memory_space<vmem>>) target_semaphore(%arg12 : memref<!tpu.dma_semaphore, #tpu.memory_space<semaphore_mem>>)
      } else {
      }
      %jit3A = arith.constant 4 : i32
      %eq3A_144 = arith.constant 0 : i32
      %eq3A_145 = arith.cmpi eq, %jit3A, %eq3A_144 : i32
      %jit3A_146 = arith.constant 1 : i32
      %select_n3A = arith.select %eq3A_145, %jit3A_146, %jit3A : i32
      %rem3A = arith.remsi %scan3A_131, %select_n3A : i32
      %ne3A = arith.constant 0 : i32
      %ne3A_147 = arith.cmpi ne, %rem3A, %ne3A : i32
      %lt3A_148 = arith.constant 0 : i32
      %lt3A_149 = arith.cmpi slt, %rem3A, %lt3A_148 : i32
      %lt3A_150 = arith.constant 0 : i32
      %lt3A_151 = arith.cmpi slt, %select_n3A, %lt3A_150 : i32
      %ne3A_152 = arith.xori %lt3A_149, %lt3A_151 : i1
      %and3A = arith.andi %ne3A_152, %ne3A_147 : i1
      %add3A_153 = arith.addi %rem3A, %select_n3A : i32
      %select_n3A_154 = arith.select %and3A, %add3A_153, %rem3A : i32
      %mul3A_155 = arith.constant 5 : i32
      %mul3A_156 = arith.muli %scan3A_131, %mul3A_155 : i32
      %add3A_157 = arith.constant 0 : i32
      %add3A_158 = arith.addi %mul3A_156, %add3A_157 : i32
      %dma_wait3A = arith.constant 0 : i32
      %dma_wait3A_159 = arith.constant 0 : i32
      %dma_wait3A_160 = arith.constant 0 : i32
      %dma_wait3A_161 = arith.constant 0 : i32
      %dma_wait3A_162 = arith.constant 0 : i32
      %dma_wait3A_163 = tpu.memref_slice %arg9[%dma_wait3A_159, %dma_wait3A_161, %dma_wait3A_162] : memref<5x32x128xf32, #tpu.memory_space<vmem>> -> memref<1x32x128xf32, #tpu.memory_space<vmem>>
      %dma_wait3A_164 = tpu.memref_squeeze %dma_wait3A_163 : memref<1x32x128xf32, #tpu.memory_space<vmem>> -> memref<32x128xf32, #tpu.memory_space<vmem>>
      %dma_wait3A_165 = arith.constant 0 : i32
      %dma_wait3A_166 = tpu.memref_slice %arg7[%select_n3A_154, %dma_wait3A, %dma_wait3A_165] : memref<4x5x32xi32, #tpu.memory_space<vmem>> -> memref<1x1x32xi32, #tpu.memory_space<vmem>>
      %dma_wait3A_167 = tpu.memref_squeeze %dma_wait3A_166 : memref<1x1x32xi32, #tpu.memory_space<vmem>> -> memref<32xi32, #tpu.memory_space<vmem>>
      %dma_wait3A_168 = arith.constant 0 : i32
      %dma_wait3A_169 = arith.constant 0 : i32
      %dma_wait3A_170 = tpu.memref_slice %arg2[%dma_wait3A_168, %dma_wait3A_169] : memref<80000x128xf32, #tpu.memory_space<hbm>> -> memref<80000x128xf32, #tpu.memory_space<hbm>>
      %dma_wait3A_171 = tpu.memref_slice %arg11[%dma_wait3A_160] : memref<5x!tpu.dma_semaphore, #tpu.memory_space<semaphore_mem>> -> memref<1x!tpu.dma_semaphore, #tpu.memory_space<semaphore_mem>>
      %dma_wait3A_172 = tpu.memref_squeeze %dma_wait3A_171 : memref<1x!tpu.dma_semaphore, #tpu.memory_space<semaphore_mem>> -> memref<!tpu.dma_semaphore, #tpu.memory_space<semaphore_mem>>
      tpu.wait_indirect_dma semaphore(%dma_wait3A_172 : memref<!tpu.dma_semaphore, #tpu.memory_space<semaphore_mem>>) src(%dma_wait3A_170 : memref<80000x128xf32, #tpu.memory_space<hbm>>) dst(%dma_wait3A_164 : memref<32x128xf32, #tpu.memory_space<vmem>>)
      %run_scoped3A_173 = arith.constant 0 : i32
      %run_scoped3A_174 = arith.constant 0 : i32
      "tpu.region"() ({
        %run_scoped3A_294 = tpu.sem_alloc : memref<!tpu.dma_semaphore, #tpu.memory_space<semaphore_mem>>
        %dma_start3A_295 = arith.constant 0 : i32
        %dma_start3A_296 = arith.constant 0 : i32
        %dma_start3A_297 = tpu.memref_slice %arg9[%run_scoped3A_173, %dma_start3A_295, %dma_start3A_296] : memref<5x32x128xf32, #tpu.memory_space<vmem>> -> memref<1x32x128xf32, #tpu.memory_space<vmem>>
        %dma_start3A_298 = tpu.memref_squeeze %dma_start3A_297 : memref<1x32x128xf32, #tpu.memory_space<vmem>> -> memref<32x128xf32, #tpu.memory_space<vmem>>
        %dma_start3A_299 = arith.constant 0 : i32
        %dma_start3A_300 = tpu.memref_slice %arg8[%select_n3A_154, %run_scoped3A_174, %dma_start3A_299] : memref<4x5x32xi32, #tpu.memory_space<vmem>> -> memref<1x1x32xi32, #tpu.memory_space<vmem>>
        %dma_start3A_301 = tpu.memref_squeeze %dma_start3A_300 : memref<1x1x32xi32, #tpu.memory_space<vmem>> -> memref<32xi32, #tpu.memory_space<vmem>>
        %dma_start3A_302 = arith.constant 0 : i32
        %dma_start3A_303 = arith.constant 0 : i32
        %dma_start3A_304 = tpu.memref_slice %arg10[%dma_start3A_302, %dma_start3A_303] : memref<10240x128xf32, #tpu.memory_space<vmem_shared>> -> memref<10240x128xf32, #tpu.memory_space<vmem_shared>>
        tpu.enqueue_indirect_dma source(%dma_start3A_298 : memref<32x128xf32, #tpu.memory_space<vmem>>) target(%dma_start3A_304 : memref<10240x128xf32, #tpu.memory_space<vmem_shared>>) offsets(%dma_start3A_301 : memref<32xi32, #tpu.memory_space<vmem>>) semaphore(%run_scoped3A_294 : memref<!tpu.dma_semaphore, #tpu.memory_space<semaphore_mem>>) {add = true}
        %dma_wait3A_305 = arith.constant 0 : i32
        %dma_wait3A_306 = arith.constant 0 : i32
        %dma_wait3A_307 = tpu.memref_slice %arg9[%run_scoped3A_173, %dma_wait3A_305, %dma_wait3A_306] : memref<5x32x128xf32, #tpu.memory_space<vmem>> -> memref<1x32x128xf32, #tpu.memory_space<vmem>>
        %dma_wait3A_308 = tpu.memref_squeeze %dma_wait3A_307 : memref<1x32x128xf32, #tpu.memory_space<vmem>> -> memref<32x128xf32, #tpu.memory_space<vmem>>
        %dma_wait3A_309 = arith.constant 0 : i32
        %dma_wait3A_310 = tpu.memref_slice %arg8[%select_n3A_154, %run_scoped3A_174, %dma_wait3A_309] : memref<4x5x32xi32, #tpu.memory_space<vmem>> -> memref<1x1x32xi32, #tpu.memory_space<vmem>>
        %dma_wait3A_311 = tpu.memref_squeeze %dma_wait3A_310 : memref<1x1x32xi32, #tpu.memory_space<vmem>> -> memref<32xi32, #tpu.memory_space<vmem>>
        %dma_wait3A_312 = arith.constant 0 : i32
        %dma_wait3A_313 = arith.constant 0 : i32
        %dma_wait3A_314 = tpu.memref_slice %arg10[%dma_wait3A_312, %dma_wait3A_313] : memref<10240x128xf32, #tpu.memory_space<vmem_shared>> -> memref<10240x128xf32, #tpu.memory_space<vmem_shared>>
        tpu.wait_indirect_dma semaphore(%run_scoped3A_294 : memref<!tpu.dma_semaphore, #tpu.memory_space<semaphore_mem>>) src(%dma_wait3A_308 : memref<32x128xf32, #tpu.memory_space<vmem>>) dst(%dma_wait3A_314 : memref<10240x128xf32, #tpu.memory_space<vmem_shared>>)
        tpu.yield
      }) : () -> ()
      %add3A_175 = arith.constant 5 : i32
      %add3A_176 = arith.addi %add3A_158, %add3A_175 : i32
      %lt3A_177 = arith.constant 625 : i32
      %lt3A_178 = arith.cmpi slt, %add3A_176, %lt3A_177 : i32
      %convert_element_type3A_179 = arith.extui %lt3A_178 : i1 to i32
      %cond3A_180 = arith.constant 0 : i32
      %cond3A_181 = arith.cmpi ne, %convert_element_type3A_179, %cond3A_180 : i32
      scf.if %cond3A_181 {
        %add3A_294 = arith.constant 1 : i32
        %add3A_295 = arith.addi %scan3A_131, %add3A_294 : i32
        %jit3A_296 = arith.constant 4 : i32
        %eq3A_297 = arith.constant 0 : i32
        %eq3A_298 = arith.cmpi eq, %jit3A_296, %eq3A_297 : i32
        %jit3A_299 = arith.constant 1 : i32
        %select_n3A_300 = arith.select %eq3A_298, %jit3A_299, %jit3A_296 : i32
        %rem3A_301 = arith.remsi %add3A_295, %select_n3A_300 : i32
        %ne3A_302 = arith.constant 0 : i32
        %ne3A_303 = arith.cmpi ne, %rem3A_301, %ne3A_302 : i32
        %lt3A_304 = arith.constant 0 : i32
        %lt3A_305 = arith.cmpi slt, %rem3A_301, %lt3A_304 : i32
        %lt3A_306 = arith.constant 0 : i32
        %lt3A_307 = arith.cmpi slt, %select_n3A_300, %lt3A_306 : i32
        %ne3A_308 = arith.xori %lt3A_305, %lt3A_307 : i1
        %and3A_309 = arith.andi %ne3A_308, %ne3A_303 : i1
        %add3A_310 = arith.addi %rem3A_301, %select_n3A_300 : i32
        %select_n3A_311 = arith.select %and3A_309, %add3A_310, %rem3A_301 : i32
        %select_n3A_312 = arith.constant false
        %select_n3A_313 = arith.select %select_n3A_312, %select_n3A_154, %select_n3A_311 : i32
        %dma_start3A_314 = arith.constant 0 : i32
        %dma_start3A_315 = arith.constant 0 : i32
        %dma_start3A_316 = arith.constant 0 : i32
        %dma_start3A_317 = arith.constant 0 : i32
        %dma_start3A_318 = arith.constant 0 : i32
        %dma_start3A_319 = tpu.memref_slice %arg9[%dma_start3A_315, %dma_start3A_317, %dma_start3A_318] : memref<5x32x128xf32, #tpu.memory_space<vmem>> -> memref<1x32x128xf32, #tpu.memory_space<vmem>>
        %dma_start3A_320 = tpu.memref_squeeze %dma_start3A_319 : memref<1x32x128xf32, #tpu.memory_space<vmem>> -> memref<32x128xf32, #tpu.memory_space<vmem>>
        %dma_start3A_321 = arith.constant 0 : i32
        %dma_start3A_322 = tpu.memref_slice %arg7[%select_n3A_313, %dma_start3A_314, %dma_start3A_321] : memref<4x5x32xi32, #tpu.memory_space<vmem>> -> memref<1x1x32xi32, #tpu.memory_space<vmem>>
        %dma_start3A_323 = tpu.memref_squeeze %dma_start3A_322 : memref<1x1x32xi32, #tpu.memory_space<vmem>> -> memref<32xi32, #tpu.memory_space<vmem>>
        %dma_start3A_324 = arith.constant 0 : i32
        %dma_start3A_325 = arith.constant 0 : i32
        %dma_start3A_326 = tpu.memref_slice %arg2[%dma_start3A_324, %dma_start3A_325] : memref<80000x128xf32, #tpu.memory_space<hbm>> -> memref<80000x128xf32, #tpu.memory_space<hbm>>
        %dma_start3A_327 = tpu.memref_slice %arg11[%dma_start3A_316] : memref<5x!tpu.dma_semaphore, #tpu.memory_space<semaphore_mem>> -> memref<1x!tpu.dma_semaphore, #tpu.memory_space<semaphore_mem>>
        %dma_start3A_328 = tpu.memref_squeeze %dma_start3A_327 : memref<1x!tpu.dma_semaphore, #tpu.memory_space<semaphore_mem>> -> memref<!tpu.dma_semaphore, #tpu.memory_space<semaphore_mem>>
        tpu.enqueue_indirect_dma source(%dma_start3A_326 : memref<80000x128xf32, #tpu.memory_space<hbm>>) target(%dma_start3A_320 : memref<32x128xf32, #tpu.memory_space<vmem>>) offsets(%dma_start3A_323 : memref<32xi32, #tpu.memory_space<vmem>>) semaphore(%dma_start3A_328 : memref<!tpu.dma_semaphore, #tpu.memory_space<semaphore_mem>>)
      } else {
      }
      %mul3A_182 = arith.constant 5 : i32
      %mul3A_183 = arith.muli %scan3A_131, %mul3A_182 : i32
      %add3A_184 = arith.constant 1 : i32
      %add3A_185 = arith.addi %mul3A_183, %add3A_184 : i32
      %dma_wait3A_186 = arith.constant 1 : i32
      %dma_wait3A_187 = arith.constant 1 : i32
      %dma_wait3A_188 = arith.constant 1 : i32
      %dma_wait3A_189 = arith.constant 0 : i32
      %dma_wait3A_190 = arith.constant 0 : i32
      %dma_wait3A_191 = tpu.memref_slice %arg9[%dma_wait3A_187, %dma_wait3A_189, %dma_wait3A_190] : memref<5x32x128xf32, #tpu.memory_space<vmem>> -> memref<1x32x128xf32, #tpu.memory_space<vmem>>
      %dma_wait3A_192 = tpu.memref_squeeze %dma_wait3A_191 : memref<1x32x128xf32, #tpu.memory_space<vmem>> -> memref<32x128xf32, #tpu.memory_space<vmem>>
      %dma_wait3A_193 = arith.constant 0 : i32
      %dma_wait3A_194 = tpu.memref_slice %arg7[%select_n3A_154, %dma_wait3A_186, %dma_wait3A_193] : memref<4x5x32xi32, #tpu.memory_space<vmem>> -> memref<1x1x32xi32, #tpu.memory_space<vmem>>
      %dma_wait3A_195 = tpu.memref_squeeze %dma_wait3A_194 : memref<1x1x32xi32, #tpu.memory_space<vmem>> -> memref<32xi32, #tpu.memory_space<vmem>>
      %dma_wait3A_196 = arith.constant 0 : i32
      %dma_wait3A_197 = arith.constant 0 : i32
      %dma_wait3A_198 = tpu.memref_slice %arg2[%dma_wait3A_196, %dma_wait3A_197] : memref<80000x128xf32, #tpu.memory_space<hbm>> -> memref<80000x128xf32, #tpu.memory_space<hbm>>
      %dma_wait3A_199 = tpu.memref_slice %arg11[%dma_wait3A_188] : memref<5x!tpu.dma_semaphore, #tpu.memory_space<semaphore_mem>> -> memref<1x!tpu.dma_semaphore, #tpu.memory_space<semaphore_mem>>
      %dma_wait3A_200 = tpu.memref_squeeze %dma_wait3A_199 : memref<1x!tpu.dma_semaphore, #tpu.memory_space<semaphore_mem>> -> memref<!tpu.dma_semaphore, #tpu.memory_space<semaphore_mem>>
      tpu.wait_indirect_dma semaphore(%dma_wait3A_200 : memref<!tpu.dma_semaphore, #tpu.memory_space<semaphore_mem>>) src(%dma_wait3A_198 : memref<80000x128xf32, #tpu.memory_space<hbm>>) dst(%dma_wait3A_192 : memref<32x128xf32, #tpu.memory_space<vmem>>)
      %run_scoped3A_201 = arith.constant 1 : i32
      %run_scoped3A_202 = arith.constant 1 : i32
      "tpu.region"() ({
        %run_scoped3A_294 = tpu.sem_alloc : memref<!tpu.dma_semaphore, #tpu.memory_space<semaphore_mem>>
        %dma_start3A_295 = arith.constant 0 : i32
        %dma_start3A_296 = arith.constant 0 : i32
        %dma_start3A_297 = tpu.memref_slice %arg9[%run_scoped3A_201, %dma_start3A_295, %dma_start3A_296] : memref<5x32x128xf32, #tpu.memory_space<vmem>> -> memref<1x32x128xf32, #tpu.memory_space<vmem>>
        %dma_start3A_298 = tpu.memref_squeeze %dma_start3A_297 : memref<1x32x128xf32, #tpu.memory_space<vmem>> -> memref<32x128xf32, #tpu.memory_space<vmem>>
        %dma_start3A_299 = arith.constant 0 : i32
        %dma_start3A_300 = tpu.memref_slice %arg8[%select_n3A_154, %run_scoped3A_202, %dma_start3A_299] : memref<4x5x32xi32, #tpu.memory_space<vmem>> -> memref<1x1x32xi32, #tpu.memory_space<vmem>>
        %dma_start3A_301 = tpu.memref_squeeze %dma_start3A_300 : memref<1x1x32xi32, #tpu.memory_space<vmem>> -> memref<32xi32, #tpu.memory_space<vmem>>
        %dma_start3A_302 = arith.constant 0 : i32
        %dma_start3A_303 = arith.constant 0 : i32
        %dma_start3A_304 = tpu.memref_slice %arg10[%dma_start3A_302, %dma_start3A_303] : memref<10240x128xf32, #tpu.memory_space<vmem_shared>> -> memref<10240x128xf32, #tpu.memory_space<vmem_shared>>
        tpu.enqueue_indirect_dma source(%dma_start3A_298 : memref<32x128xf32, #tpu.memory_space<vmem>>) target(%dma_start3A_304 : memref<10240x128xf32, #tpu.memory_space<vmem_shared>>) offsets(%dma_start3A_301 : memref<32xi32, #tpu.memory_space<vmem>>) semaphore(%run_scoped3A_294 : memref<!tpu.dma_semaphore, #tpu.memory_space<semaphore_mem>>) {add = true}
        %dma_wait3A_305 = arith.constant 0 : i32
        %dma_wait3A_306 = arith.constant 0 : i32
        %dma_wait3A_307 = tpu.memref_slice %arg9[%run_scoped3A_201, %dma_wait3A_305, %dma_wait3A_306] : memref<5x32x128xf32, #tpu.memory_space<vmem>> -> memref<1x32x128xf32, #tpu.memory_space<vmem>>
        %dma_wait3A_308 = tpu.memref_squeeze %dma_wait3A_307 : memref<1x32x128xf32, #tpu.memory_space<vmem>> -> memref<32x128xf32, #tpu.memory_space<vmem>>
        %dma_wait3A_309 = arith.constant 0 : i32
        %dma_wait3A_310 = tpu.memref_slice %arg8[%select_n3A_154, %run_scoped3A_202, %dma_wait3A_309] : memref<4x5x32xi32, #tpu.memory_space<vmem>> -> memref<1x1x32xi32, #tpu.memory_space<vmem>>
        %dma_wait3A_311 = tpu.memref_squeeze %dma_wait3A_310 : memref<1x1x32xi32, #tpu.memory_space<vmem>> -> memref<32xi32, #tpu.memory_space<vmem>>
        %dma_wait3A_312 = arith.constant 0 : i32
        %dma_wait3A_313 = arith.constant 0 : i32
        %dma_wait3A_314 = tpu.memref_slice %arg10[%dma_wait3A_312, %dma_wait3A_313] : memref<10240x128xf32, #tpu.memory_space<vmem_shared>> -> memref<10240x128xf32, #tpu.memory_space<vmem_shared>>
        tpu.wait_indirect_dma semaphore(%run_scoped3A_294 : memref<!tpu.dma_semaphore, #tpu.memory_space<semaphore_mem>>) src(%dma_wait3A_308 : memref<32x128xf32, #tpu.memory_space<vmem>>) dst(%dma_wait3A_314 : memref<10240x128xf32, #tpu.memory_space<vmem_shared>>)
        tpu.yield
      }) : () -> ()
      %add3A_203 = arith.constant 5 : i32
      %add3A_204 = arith.addi %add3A_185, %add3A_203 : i32
      %lt3A_205 = arith.constant 625 : i32
      %lt3A_206 = arith.cmpi slt, %add3A_204, %lt3A_205 : i32
      %convert_element_type3A_207 = arith.extui %lt3A_206 : i1 to i32
      %cond3A_208 = arith.constant 0 : i32
      %cond3A_209 = arith.cmpi ne, %convert_element_type3A_207, %cond3A_208 : i32
      scf.if %cond3A_209 {
        %add3A_294 = arith.constant 1 : i32
        %add3A_295 = arith.addi %scan3A_131, %add3A_294 : i32
        %jit3A_296 = arith.constant 4 : i32
        %eq3A_297 = arith.constant 0 : i32
        %eq3A_298 = arith.cmpi eq, %jit3A_296, %eq3A_297 : i32
        %jit3A_299 = arith.constant 1 : i32
        %select_n3A_300 = arith.select %eq3A_298, %jit3A_299, %jit3A_296 : i32
        %rem3A_301 = arith.remsi %add3A_295, %select_n3A_300 : i32
        %ne3A_302 = arith.constant 0 : i32
        %ne3A_303 = arith.cmpi ne, %rem3A_301, %ne3A_302 : i32
        %lt3A_304 = arith.constant 0 : i32
        %lt3A_305 = arith.cmpi slt, %rem3A_301, %lt3A_304 : i32
        %lt3A_306 = arith.constant 0 : i32
        %lt3A_307 = arith.cmpi slt, %select_n3A_300, %lt3A_306 : i32
        %ne3A_308 = arith.xori %lt3A_305, %lt3A_307 : i1
        %and3A_309 = arith.andi %ne3A_308, %ne3A_303 : i1
        %add3A_310 = arith.addi %rem3A_301, %select_n3A_300 : i32
        %select_n3A_311 = arith.select %and3A_309, %add3A_310, %rem3A_301 : i32
        %select_n3A_312 = arith.constant false
        %select_n3A_313 = arith.select %select_n3A_312, %select_n3A_154, %select_n3A_311 : i32
        %dma_start3A_314 = arith.constant 1 : i32
        %dma_start3A_315 = arith.constant 1 : i32
        %dma_start3A_316 = arith.constant 1 : i32
        %dma_start3A_317 = arith.constant 0 : i32
        %dma_start3A_318 = arith.constant 0 : i32
        %dma_start3A_319 = tpu.memref_slice %arg9[%dma_start3A_315, %dma_start3A_317, %dma_start3A_318] : memref<5x32x128xf32, #tpu.memory_space<vmem>> -> memref<1x32x128xf32, #tpu.memory_space<vmem>>
        %dma_start3A_320 = tpu.memref_squeeze %dma_start3A_319 : memref<1x32x128xf32, #tpu.memory_space<vmem>> -> memref<32x128xf32, #tpu.memory_space<vmem>>
        %dma_start3A_321 = arith.constant 0 : i32
        %dma_start3A_322 = tpu.memref_slice %arg7[%select_n3A_313, %dma_start3A_314, %dma_start3A_321] : memref<4x5x32xi32, #tpu.memory_space<vmem>> -> memref<1x1x32xi32, #tpu.memory_space<vmem>>
        %dma_start3A_323 = tpu.memref_squeeze %dma_start3A_322 : memref<1x1x32xi32, #tpu.memory_space<vmem>> -> memref<32xi32, #tpu.memory_space<vmem>>
        %dma_start3A_324 = arith.constant 0 : i32
        %dma_start3A_325 = arith.constant 0 : i32
        %dma_start3A_326 = tpu.memref_slice %arg2[%dma_start3A_324, %dma_start3A_325] : memref<80000x128xf32, #tpu.memory_space<hbm>> -> memref<80000x128xf32, #tpu.memory_space<hbm>>
        %dma_start3A_327 = tpu.memref_slice %arg11[%dma_start3A_316] : memref<5x!tpu.dma_semaphore, #tpu.memory_space<semaphore_mem>> -> memref<1x!tpu.dma_semaphore, #tpu.memory_space<semaphore_mem>>
        %dma_start3A_328 = tpu.memref_squeeze %dma_start3A_327 : memref<1x!tpu.dma_semaphore, #tpu.memory_space<semaphore_mem>> -> memref<!tpu.dma_semaphore, #tpu.memory_space<semaphore_mem>>
        tpu.enqueue_indirect_dma source(%dma_start3A_326 : memref<80000x128xf32, #tpu.memory_space<hbm>>) target(%dma_start3A_320 : memref<32x128xf32, #tpu.memory_space<vmem>>) offsets(%dma_start3A_323 : memref<32xi32, #tpu.memory_space<vmem>>) semaphore(%dma_start3A_328 : memref<!tpu.dma_semaphore, #tpu.memory_space<semaphore_mem>>)
      } else {
      }
      %mul3A_210 = arith.constant 5 : i32
      %mul3A_211 = arith.muli %scan3A_131, %mul3A_210 : i32
      %add3A_212 = arith.constant 2 : i32
      %add3A_213 = arith.addi %mul3A_211, %add3A_212 : i32
      %dma_wait3A_214 = arith.constant 2 : i32
      %dma_wait3A_215 = arith.constant 2 : i32
      %dma_wait3A_216 = arith.constant 2 : i32
      %dma_wait3A_217 = arith.constant 0 : i32
      %dma_wait3A_218 = arith.constant 0 : i32
      %dma_wait3A_219 = tpu.memref_slice %arg9[%dma_wait3A_215, %dma_wait3A_217, %dma_wait3A_218] : memref<5x32x128xf32, #tpu.memory_space<vmem>> -> memref<1x32x128xf32, #tpu.memory_space<vmem>>
      %dma_wait3A_220 = tpu.memref_squeeze %dma_wait3A_219 : memref<1x32x128xf32, #tpu.memory_space<vmem>> -> memref<32x128xf32, #tpu.memory_space<vmem>>
      %dma_wait3A_221 = arith.constant 0 : i32
      %dma_wait3A_222 = tpu.memref_slice %arg7[%select_n3A_154, %dma_wait3A_214, %dma_wait3A_221] : memref<4x5x32xi32, #tpu.memory_space<vmem>> -> memref<1x1x32xi32, #tpu.memory_space<vmem>>
      %dma_wait3A_223 = tpu.memref_squeeze %dma_wait3A_222 : memref<1x1x32xi32, #tpu.memory_space<vmem>> -> memref<32xi32, #tpu.memory_space<vmem>>
      %dma_wait3A_224 = arith.constant 0 : i32
      %dma_wait3A_225 = arith.constant 0 : i32
      %dma_wait3A_226 = tpu.memref_slice %arg2[%dma_wait3A_224, %dma_wait3A_225] : memref<80000x128xf32, #tpu.memory_space<hbm>> -> memref<80000x128xf32, #tpu.memory_space<hbm>>
      %dma_wait3A_227 = tpu.memref_slice %arg11[%dma_wait3A_216] : memref<5x!tpu.dma_semaphore, #tpu.memory_space<semaphore_mem>> -> memref<1x!tpu.dma_semaphore, #tpu.memory_space<semaphore_mem>>
      %dma_wait3A_228 = tpu.memref_squeeze %dma_wait3A_227 : memref<1x!tpu.dma_semaphore, #tpu.memory_space<semaphore_mem>> -> memref<!tpu.dma_semaphore, #tpu.memory_space<semaphore_mem>>
      tpu.wait_indirect_dma semaphore(%dma_wait3A_228 : memref<!tpu.dma_semaphore, #tpu.memory_space<semaphore_mem>>) src(%dma_wait3A_226 : memref<80000x128xf32, #tpu.memory_space<hbm>>) dst(%dma_wait3A_220 : memref<32x128xf32, #tpu.memory_space<vmem>>)
      %run_scoped3A_229 = arith.constant 2 : i32
      %run_scoped3A_230 = arith.constant 2 : i32
      "tpu.region"() ({
        %run_scoped3A_294 = tpu.sem_alloc : memref<!tpu.dma_semaphore, #tpu.memory_space<semaphore_mem>>
        %dma_start3A_295 = arith.constant 0 : i32
        %dma_start3A_296 = arith.constant 0 : i32
        %dma_start3A_297 = tpu.memref_slice %arg9[%run_scoped3A_229, %dma_start3A_295, %dma_start3A_296] : memref<5x32x128xf32, #tpu.memory_space<vmem>> -> memref<1x32x128xf32, #tpu.memory_space<vmem>>
        %dma_start3A_298 = tpu.memref_squeeze %dma_start3A_297 : memref<1x32x128xf32, #tpu.memory_space<vmem>> -> memref<32x128xf32, #tpu.memory_space<vmem>>
        %dma_start3A_299 = arith.constant 0 : i32
        %dma_start3A_300 = tpu.memref_slice %arg8[%select_n3A_154, %run_scoped3A_230, %dma_start3A_299] : memref<4x5x32xi32, #tpu.memory_space<vmem>> -> memref<1x1x32xi32, #tpu.memory_space<vmem>>
        %dma_start3A_301 = tpu.memref_squeeze %dma_start3A_300 : memref<1x1x32xi32, #tpu.memory_space<vmem>> -> memref<32xi32, #tpu.memory_space<vmem>>
        %dma_start3A_302 = arith.constant 0 : i32
        %dma_start3A_303 = arith.constant 0 : i32
        %dma_start3A_304 = tpu.memref_slice %arg10[%dma_start3A_302, %dma_start3A_303] : memref<10240x128xf32, #tpu.memory_space<vmem_shared>> -> memref<10240x128xf32, #tpu.memory_space<vmem_shared>>
        tpu.enqueue_indirect_dma source(%dma_start3A_298 : memref<32x128xf32, #tpu.memory_space<vmem>>) target(%dma_start3A_304 : memref<10240x128xf32, #tpu.memory_space<vmem_shared>>) offsets(%dma_start3A_301 : memref<32xi32, #tpu.memory_space<vmem>>) semaphore(%run_scoped3A_294 : memref<!tpu.dma_semaphore, #tpu.memory_space<semaphore_mem>>) {add = true}
        %dma_wait3A_305 = arith.constant 0 : i32
        %dma_wait3A_306 = arith.constant 0 : i32
        %dma_wait3A_307 = tpu.memref_slice %arg9[%run_scoped3A_229, %dma_wait3A_305, %dma_wait3A_306] : memref<5x32x128xf32, #tpu.memory_space<vmem>> -> memref<1x32x128xf32, #tpu.memory_space<vmem>>
        %dma_wait3A_308 = tpu.memref_squeeze %dma_wait3A_307 : memref<1x32x128xf32, #tpu.memory_space<vmem>> -> memref<32x128xf32, #tpu.memory_space<vmem>>
        %dma_wait3A_309 = arith.constant 0 : i32
        %dma_wait3A_310 = tpu.memref_slice %arg8[%select_n3A_154, %run_scoped3A_230, %dma_wait3A_309] : memref<4x5x32xi32, #tpu.memory_space<vmem>> -> memref<1x1x32xi32, #tpu.memory_space<vmem>>
        %dma_wait3A_311 = tpu.memref_squeeze %dma_wait3A_310 : memref<1x1x32xi32, #tpu.memory_space<vmem>> -> memref<32xi32, #tpu.memory_space<vmem>>
        %dma_wait3A_312 = arith.constant 0 : i32
        %dma_wait3A_313 = arith.constant 0 : i32
        %dma_wait3A_314 = tpu.memref_slice %arg10[%dma_wait3A_312, %dma_wait3A_313] : memref<10240x128xf32, #tpu.memory_space<vmem_shared>> -> memref<10240x128xf32, #tpu.memory_space<vmem_shared>>
        tpu.wait_indirect_dma semaphore(%run_scoped3A_294 : memref<!tpu.dma_semaphore, #tpu.memory_space<semaphore_mem>>) src(%dma_wait3A_308 : memref<32x128xf32, #tpu.memory_space<vmem>>) dst(%dma_wait3A_314 : memref<10240x128xf32, #tpu.memory_space<vmem_shared>>)
        tpu.yield
      }) : () -> ()
      %add3A_231 = arith.constant 5 : i32
      %add3A_232 = arith.addi %add3A_213, %add3A_231 : i32
      %lt3A_233 = arith.constant 625 : i32
      %lt3A_234 = arith.cmpi slt, %add3A_232, %lt3A_233 : i32
      %convert_element_type3A_235 = arith.extui %lt3A_234 : i1 to i32
      %cond3A_236 = arith.constant 0 : i32
      %cond3A_237 = arith.cmpi ne, %convert_element_type3A_235, %cond3A_236 : i32
      scf.if %cond3A_237 {
        %add3A_294 = arith.constant 1 : i32
        %add3A_295 = arith.addi %scan3A_131, %add3A_294 : i32
        %jit3A_296 = arith.constant 4 : i32
        %eq3A_297 = arith.constant 0 : i32
        %eq3A_298 = arith.cmpi eq, %jit3A_296, %eq3A_297 : i32
        %jit3A_299 = arith.constant 1 : i32
        %select_n3A_300 = arith.select %eq3A_298, %jit3A_299, %jit3A_296 : i32
        %rem3A_301 = arith.remsi %add3A_295, %select_n3A_300 : i32
        %ne3A_302 = arith.constant 0 : i32
        %ne3A_303 = arith.cmpi ne, %rem3A_301, %ne3A_302 : i32
        %lt3A_304 = arith.constant 0 : i32
        %lt3A_305 = arith.cmpi slt, %rem3A_301, %lt3A_304 : i32
        %lt3A_306 = arith.constant 0 : i32
        %lt3A_307 = arith.cmpi slt, %select_n3A_300, %lt3A_306 : i32
        %ne3A_308 = arith.xori %lt3A_305, %lt3A_307 : i1
        %and3A_309 = arith.andi %ne3A_308, %ne3A_303 : i1
        %add3A_310 = arith.addi %rem3A_301, %select_n3A_300 : i32
        %select_n3A_311 = arith.select %and3A_309, %add3A_310, %rem3A_301 : i32
        %select_n3A_312 = arith.constant false
        %select_n3A_313 = arith.select %select_n3A_312, %select_n3A_154, %select_n3A_311 : i32
        %dma_start3A_314 = arith.constant 2 : i32
        %dma_start3A_315 = arith.constant 2 : i32
        %dma_start3A_316 = arith.constant 2 : i32
        %dma_start3A_317 = arith.constant 0 : i32
        %dma_start3A_318 = arith.constant 0 : i32
        %dma_start3A_319 = tpu.memref_slice %arg9[%dma_start3A_315, %dma_start3A_317, %dma_start3A_318] : memref<5x32x128xf32, #tpu.memory_space<vmem>> -> memref<1x32x128xf32, #tpu.memory_space<vmem>>
        %dma_start3A_320 = tpu.memref_squeeze %dma_start3A_319 : memref<1x32x128xf32, #tpu.memory_space<vmem>> -> memref<32x128xf32, #tpu.memory_space<vmem>>
        %dma_start3A_321 = arith.constant 0 : i32
        %dma_start3A_322 = tpu.memref_slice %arg7[%select_n3A_313, %dma_start3A_314, %dma_start3A_321] : memref<4x5x32xi32, #tpu.memory_space<vmem>> -> memref<1x1x32xi32, #tpu.memory_space<vmem>>
        %dma_start3A_323 = tpu.memref_squeeze %dma_start3A_322 : memref<1x1x32xi32, #tpu.memory_space<vmem>> -> memref<32xi32, #tpu.memory_space<vmem>>
        %dma_start3A_324 = arith.constant 0 : i32
        %dma_start3A_325 = arith.constant 0 : i32
        %dma_start3A_326 = tpu.memref_slice %arg2[%dma_start3A_324, %dma_start3A_325] : memref<80000x128xf32, #tpu.memory_space<hbm>> -> memref<80000x128xf32, #tpu.memory_space<hbm>>
        %dma_start3A_327 = tpu.memref_slice %arg11[%dma_start3A_316] : memref<5x!tpu.dma_semaphore, #tpu.memory_space<semaphore_mem>> -> memref<1x!tpu.dma_semaphore, #tpu.memory_space<semaphore_mem>>
        %dma_start3A_328 = tpu.memref_squeeze %dma_start3A_327 : memref<1x!tpu.dma_semaphore, #tpu.memory_space<semaphore_mem>> -> memref<!tpu.dma_semaphore, #tpu.memory_space<semaphore_mem>>
        tpu.enqueue_indirect_dma source(%dma_start3A_326 : memref<80000x128xf32, #tpu.memory_space<hbm>>) target(%dma_start3A_320 : memref<32x128xf32, #tpu.memory_space<vmem>>) offsets(%dma_start3A_323 : memref<32xi32, #tpu.memory_space<vmem>>) semaphore(%dma_start3A_328 : memref<!tpu.dma_semaphore, #tpu.memory_space<semaphore_mem>>)
      } else {
      }
      %mul3A_238 = arith.constant 5 : i32
      %mul3A_239 = arith.muli %scan3A_131, %mul3A_238 : i32
      %add3A_240 = arith.constant 3 : i32
      %add3A_241 = arith.addi %mul3A_239, %add3A_240 : i32
      %dma_wait3A_242 = arith.constant 3 : i32
      %dma_wait3A_243 = arith.constant 3 : i32
      %dma_wait3A_244 = arith.constant 3 : i32
      %dma_wait3A_245 = arith.constant 0 : i32
      %dma_wait3A_246 = arith.constant 0 : i32
      %dma_wait3A_247 = tpu.memref_slice %arg9[%dma_wait3A_243, %dma_wait3A_245, %dma_wait3A_246] : memref<5x32x128xf32, #tpu.memory_space<vmem>> -> memref<1x32x128xf32, #tpu.memory_space<vmem>>
      %dma_wait3A_248 = tpu.memref_squeeze %dma_wait3A_247 : memref<1x32x128xf32, #tpu.memory_space<vmem>> -> memref<32x128xf32, #tpu.memory_space<vmem>>
      %dma_wait3A_249 = arith.constant 0 : i32
      %dma_wait3A_250 = tpu.memref_slice %arg7[%select_n3A_154, %dma_wait3A_242, %dma_wait3A_249] : memref<4x5x32xi32, #tpu.memory_space<vmem>> -> memref<1x1x32xi32, #tpu.memory_space<vmem>>
      %dma_wait3A_251 = tpu.memref_squeeze %dma_wait3A_250 : memref<1x1x32xi32, #tpu.memory_space<vmem>> -> memref<32xi32, #tpu.memory_space<vmem>>
      %dma_wait3A_252 = arith.constant 0 : i32
      %dma_wait3A_253 = arith.constant 0 : i32
      %dma_wait3A_254 = tpu.memref_slice %arg2[%dma_wait3A_252, %dma_wait3A_253] : memref<80000x128xf32, #tpu.memory_space<hbm>> -> memref<80000x128xf32, #tpu.memory_space<hbm>>
      %dma_wait3A_255 = tpu.memref_slice %arg11[%dma_wait3A_244] : memref<5x!tpu.dma_semaphore, #tpu.memory_space<semaphore_mem>> -> memref<1x!tpu.dma_semaphore, #tpu.memory_space<semaphore_mem>>
      %dma_wait3A_256 = tpu.memref_squeeze %dma_wait3A_255 : memref<1x!tpu.dma_semaphore, #tpu.memory_space<semaphore_mem>> -> memref<!tpu.dma_semaphore, #tpu.memory_space<semaphore_mem>>
      tpu.wait_indirect_dma semaphore(%dma_wait3A_256 : memref<!tpu.dma_semaphore, #tpu.memory_space<semaphore_mem>>) src(%dma_wait3A_254 : memref<80000x128xf32, #tpu.memory_space<hbm>>) dst(%dma_wait3A_248 : memref<32x128xf32, #tpu.memory_space<vmem>>)
      %run_scoped3A_257 = arith.constant 3 : i32
      %run_scoped3A_258 = arith.constant 3 : i32
      "tpu.region"() ({
        %run_scoped3A_294 = tpu.sem_alloc : memref<!tpu.dma_semaphore, #tpu.memory_space<semaphore_mem>>
        %dma_start3A_295 = arith.constant 0 : i32
        %dma_start3A_296 = arith.constant 0 : i32
        %dma_start3A_297 = tpu.memref_slice %arg9[%run_scoped3A_257, %dma_start3A_295, %dma_start3A_296] : memref<5x32x128xf32, #tpu.memory_space<vmem>> -> memref<1x32x128xf32, #tpu.memory_space<vmem>>
        %dma_start3A_298 = tpu.memref_squeeze %dma_start3A_297 : memref<1x32x128xf32, #tpu.memory_space<vmem>> -> memref<32x128xf32, #tpu.memory_space<vmem>>
        %dma_start3A_299 = arith.constant 0 : i32
        %dma_start3A_300 = tpu.memref_slice %arg8[%select_n3A_154, %run_scoped3A_258, %dma_start3A_299] : memref<4x5x32xi32, #tpu.memory_space<vmem>> -> memref<1x1x32xi32, #tpu.memory_space<vmem>>
        %dma_start3A_301 = tpu.memref_squeeze %dma_start3A_300 : memref<1x1x32xi32, #tpu.memory_space<vmem>> -> memref<32xi32, #tpu.memory_space<vmem>>
        %dma_start3A_302 = arith.constant 0 : i32
        %dma_start3A_303 = arith.constant 0 : i32
        %dma_start3A_304 = tpu.memref_slice %arg10[%dma_start3A_302, %dma_start3A_303] : memref<10240x128xf32, #tpu.memory_space<vmem_shared>> -> memref<10240x128xf32, #tpu.memory_space<vmem_shared>>
        tpu.enqueue_indirect_dma source(%dma_start3A_298 : memref<32x128xf32, #tpu.memory_space<vmem>>) target(%dma_start3A_304 : memref<10240x128xf32, #tpu.memory_space<vmem_shared>>) offsets(%dma_start3A_301 : memref<32xi32, #tpu.memory_space<vmem>>) semaphore(%run_scoped3A_294 : memref<!tpu.dma_semaphore, #tpu.memory_space<semaphore_mem>>) {add = true}
        %dma_wait3A_305 = arith.constant 0 : i32
        %dma_wait3A_306 = arith.constant 0 : i32
        %dma_wait3A_307 = tpu.memref_slice %arg9[%run_scoped3A_257, %dma_wait3A_305, %dma_wait3A_306] : memref<5x32x128xf32, #tpu.memory_space<vmem>> -> memref<1x32x128xf32, #tpu.memory_space<vmem>>
        %dma_wait3A_308 = tpu.memref_squeeze %dma_wait3A_307 : memref<1x32x128xf32, #tpu.memory_space<vmem>> -> memref<32x128xf32, #tpu.memory_space<vmem>>
        %dma_wait3A_309 = arith.constant 0 : i32
        %dma_wait3A_310 = tpu.memref_slice %arg8[%select_n3A_154, %run_scoped3A_258, %dma_wait3A_309] : memref<4x5x32xi32, #tpu.memory_space<vmem>> -> memref<1x1x32xi32, #tpu.memory_space<vmem>>
        %dma_wait3A_311 = tpu.memref_squeeze %dma_wait3A_310 : memref<1x1x32xi32, #tpu.memory_space<vmem>> -> memref<32xi32, #tpu.memory_space<vmem>>
        %dma_wait3A_312 = arith.constant 0 : i32
        %dma_wait3A_313 = arith.constant 0 : i32
        %dma_wait3A_314 = tpu.memref_slice %arg10[%dma_wait3A_312, %dma_wait3A_313] : memref<10240x128xf32, #tpu.memory_space<vmem_shared>> -> memref<10240x128xf32, #tpu.memory_space<vmem_shared>>
        tpu.wait_indirect_dma semaphore(%run_scoped3A_294 : memref<!tpu.dma_semaphore, #tpu.memory_space<semaphore_mem>>) src(%dma_wait3A_308 : memref<32x128xf32, #tpu.memory_space<vmem>>) dst(%dma_wait3A_314 : memref<10240x128xf32, #tpu.memory_space<vmem_shared>>)
        tpu.yield
      }) : () -> ()
      %add3A_259 = arith.constant 5 : i32
      %add3A_260 = arith.addi %add3A_241, %add3A_259 : i32
      %lt3A_261 = arith.constant 625 : i32
      %lt3A_262 = arith.cmpi slt, %add3A_260, %lt3A_261 : i32
      %convert_element_type3A_263 = arith.extui %lt3A_262 : i1 to i32
      %cond3A_264 = arith.constant 0 : i32
      %cond3A_265 = arith.cmpi ne, %convert_element_type3A_263, %cond3A_264 : i32
      scf.if %cond3A_265 {
        %add3A_294 = arith.constant 1 : i32
        %add3A_295 = arith.addi %scan3A_131, %add3A_294 : i32
        %jit3A_296 = arith.constant 4 : i32
        %eq3A_297 = arith.constant 0 : i32
        %eq3A_298 = arith.cmpi eq, %jit3A_296, %eq3A_297 : i32
        %jit3A_299 = arith.constant 1 : i32
        %select_n3A_300 = arith.select %eq3A_298, %jit3A_299, %jit3A_296 : i32
        %rem3A_301 = arith.remsi %add3A_295, %select_n3A_300 : i32
        %ne3A_302 = arith.constant 0 : i32
        %ne3A_303 = arith.cmpi ne, %rem3A_301, %ne3A_302 : i32
        %lt3A_304 = arith.constant 0 : i32
        %lt3A_305 = arith.cmpi slt, %rem3A_301, %lt3A_304 : i32
        %lt3A_306 = arith.constant 0 : i32
        %lt3A_307 = arith.cmpi slt, %select_n3A_300, %lt3A_306 : i32
        %ne3A_308 = arith.xori %lt3A_305, %lt3A_307 : i1
        %and3A_309 = arith.andi %ne3A_308, %ne3A_303 : i1
        %add3A_310 = arith.addi %rem3A_301, %select_n3A_300 : i32
        %select_n3A_311 = arith.select %and3A_309, %add3A_310, %rem3A_301 : i32
        %select_n3A_312 = arith.constant false
        %select_n3A_313 = arith.select %select_n3A_312, %select_n3A_154, %select_n3A_311 : i32
        %dma_start3A_314 = arith.constant 3 : i32
        %dma_start3A_315 = arith.constant 3 : i32
        %dma_start3A_316 = arith.constant 3 : i32
        %dma_start3A_317 = arith.constant 0 : i32
        %dma_start3A_318 = arith.constant 0 : i32
        %dma_start3A_319 = tpu.memref_slice %arg9[%dma_start3A_315, %dma_start3A_317, %dma_start3A_318] : memref<5x32x128xf32, #tpu.memory_space<vmem>> -> memref<1x32x128xf32, #tpu.memory_space<vmem>>
        %dma_start3A_320 = tpu.memref_squeeze %dma_start3A_319 : memref<1x32x128xf32, #tpu.memory_space<vmem>> -> memref<32x128xf32, #tpu.memory_space<vmem>>
        %dma_start3A_321 = arith.constant 0 : i32
        %dma_start3A_322 = tpu.memref_slice %arg7[%select_n3A_313, %dma_start3A_314, %dma_start3A_321] : memref<4x5x32xi32, #tpu.memory_space<vmem>> -> memref<1x1x32xi32, #tpu.memory_space<vmem>>
        %dma_start3A_323 = tpu.memref_squeeze %dma_start3A_322 : memref<1x1x32xi32, #tpu.memory_space<vmem>> -> memref<32xi32, #tpu.memory_space<vmem>>
        %dma_start3A_324 = arith.constant 0 : i32
        %dma_start3A_325 = arith.constant 0 : i32
        %dma_start3A_326 = tpu.memref_slice %arg2[%dma_start3A_324, %dma_start3A_325] : memref<80000x128xf32, #tpu.memory_space<hbm>> -> memref<80000x128xf32, #tpu.memory_space<hbm>>
        %dma_start3A_327 = tpu.memref_slice %arg11[%dma_start3A_316] : memref<5x!tpu.dma_semaphore, #tpu.memory_space<semaphore_mem>> -> memref<1x!tpu.dma_semaphore, #tpu.memory_space<semaphore_mem>>
        %dma_start3A_328 = tpu.memref_squeeze %dma_start3A_327 : memref<1x!tpu.dma_semaphore, #tpu.memory_space<semaphore_mem>> -> memref<!tpu.dma_semaphore, #tpu.memory_space<semaphore_mem>>
        tpu.enqueue_indirect_dma source(%dma_start3A_326 : memref<80000x128xf32, #tpu.memory_space<hbm>>) target(%dma_start3A_320 : memref<32x128xf32, #tpu.memory_space<vmem>>) offsets(%dma_start3A_323 : memref<32xi32, #tpu.memory_space<vmem>>) semaphore(%dma_start3A_328 : memref<!tpu.dma_semaphore, #tpu.memory_space<semaphore_mem>>)
      } else {
      }
      %mul3A_266 = arith.constant 5 : i32
      %mul3A_267 = arith.muli %scan3A_131, %mul3A_266 : i32
      %add3A_268 = arith.constant 4 : i32
      %add3A_269 = arith.addi %mul3A_267, %add3A_268 : i32
      %dma_wait3A_270 = arith.constant 4 : i32
      %dma_wait3A_271 = arith.constant 4 : i32
      %dma_wait3A_272 = arith.constant 4 : i32
      %dma_wait3A_273 = arith.constant 0 : i32
      %dma_wait3A_274 = arith.constant 0 : i32
      %dma_wait3A_275 = tpu.memref_slice %arg9[%dma_wait3A_271, %dma_wait3A_273, %dma_wait3A_274] : memref<5x32x128xf32, #tpu.memory_space<vmem>> -> memref<1x32x128xf32, #tpu.memory_space<vmem>>
      %dma_wait3A_276 = tpu.memref_squeeze %dma_wait3A_275 : memref<1x32x128xf32, #tpu.memory_space<vmem>> -> memref<32x128xf32, #tpu.memory_space<vmem>>
      %dma_wait3A_277 = arith.constant 0 : i32
      %dma_wait3A_278 = tpu.memref_slice %arg7[%select_n3A_154, %dma_wait3A_270, %dma_wait3A_277] : memref<4x5x32xi32, #tpu.memory_space<vmem>> -> memref<1x1x32xi32, #tpu.memory_space<vmem>>
      %dma_wait3A_279 = tpu.memref_squeeze %dma_wait3A_278 : memref<1x1x32xi32, #tpu.memory_space<vmem>> -> memref<32xi32, #tpu.memory_space<vmem>>
      %dma_wait3A_280 = arith.constant 0 : i32
      %dma_wait3A_281 = arith.constant 0 : i32
      %dma_wait3A_282 = tpu.memref_slice %arg2[%dma_wait3A_280, %dma_wait3A_281] : memref<80000x128xf32, #tpu.memory_space<hbm>> -> memref<80000x128xf32, #tpu.memory_space<hbm>>
      %dma_wait3A_283 = tpu.memref_slice %arg11[%dma_wait3A_272] : memref<5x!tpu.dma_semaphore, #tpu.memory_space<semaphore_mem>> -> memref<1x!tpu.dma_semaphore, #tpu.memory_space<semaphore_mem>>
      %dma_wait3A_284 = tpu.memref_squeeze %dma_wait3A_283 : memref<1x!tpu.dma_semaphore, #tpu.memory_space<semaphore_mem>> -> memref<!tpu.dma_semaphore, #tpu.memory_space<semaphore_mem>>
      tpu.wait_indirect_dma semaphore(%dma_wait3A_284 : memref<!tpu.dma_semaphore, #tpu.memory_space<semaphore_mem>>) src(%dma_wait3A_282 : memref<80000x128xf32, #tpu.memory_space<hbm>>) dst(%dma_wait3A_276 : memref<32x128xf32, #tpu.memory_space<vmem>>)
      %run_scoped3A_285 = arith.constant 4 : i32
      %run_scoped3A_286 = arith.constant 4 : i32
      "tpu.region"() ({
        %run_scoped3A_294 = tpu.sem_alloc : memref<!tpu.dma_semaphore, #tpu.memory_space<semaphore_mem>>
        %dma_start3A_295 = arith.constant 0 : i32
        %dma_start3A_296 = arith.constant 0 : i32
        %dma_start3A_297 = tpu.memref_slice %arg9[%run_scoped3A_285, %dma_start3A_295, %dma_start3A_296] : memref<5x32x128xf32, #tpu.memory_space<vmem>> -> memref<1x32x128xf32, #tpu.memory_space<vmem>>
        %dma_start3A_298 = tpu.memref_squeeze %dma_start3A_297 : memref<1x32x128xf32, #tpu.memory_space<vmem>> -> memref<32x128xf32, #tpu.memory_space<vmem>>
        %dma_start3A_299 = arith.constant 0 : i32
        %dma_start3A_300 = tpu.memref_slice %arg8[%select_n3A_154, %run_scoped3A_286, %dma_start3A_299] : memref<4x5x32xi32, #tpu.memory_space<vmem>> -> memref<1x1x32xi32, #tpu.memory_space<vmem>>
        %dma_start3A_301 = tpu.memref_squeeze %dma_start3A_300 : memref<1x1x32xi32, #tpu.memory_space<vmem>> -> memref<32xi32, #tpu.memory_space<vmem>>
        %dma_start3A_302 = arith.constant 0 : i32
        %dma_start3A_303 = arith.constant 0 : i32
        %dma_start3A_304 = tpu.memref_slice %arg10[%dma_start3A_302, %dma_start3A_303] : memref<10240x128xf32, #tpu.memory_space<vmem_shared>> -> memref<10240x128xf32, #tpu.memory_space<vmem_shared>>
        tpu.enqueue_indirect_dma source(%dma_start3A_298 : memref<32x128xf32, #tpu.memory_space<vmem>>) target(%dma_start3A_304 : memref<10240x128xf32, #tpu.memory_space<vmem_shared>>) offsets(%dma_start3A_301 : memref<32xi32, #tpu.memory_space<vmem>>) semaphore(%run_scoped3A_294 : memref<!tpu.dma_semaphore, #tpu.memory_space<semaphore_mem>>) {add = true}
        %dma_wait3A_305 = arith.constant 0 : i32
        %dma_wait3A_306 = arith.constant 0 : i32
        %dma_wait3A_307 = tpu.memref_slice %arg9[%run_scoped3A_285, %dma_wait3A_305, %dma_wait3A_306] : memref<5x32x128xf32, #tpu.memory_space<vmem>> -> memref<1x32x128xf32, #tpu.memory_space<vmem>>
        %dma_wait3A_308 = tpu.memref_squeeze %dma_wait3A_307 : memref<1x32x128xf32, #tpu.memory_space<vmem>> -> memref<32x128xf32, #tpu.memory_space<vmem>>
        %dma_wait3A_309 = arith.constant 0 : i32
        %dma_wait3A_310 = tpu.memref_slice %arg8[%select_n3A_154, %run_scoped3A_286, %dma_wait3A_309] : memref<4x5x32xi32, #tpu.memory_space<vmem>> -> memref<1x1x32xi32, #tpu.memory_space<vmem>>
        %dma_wait3A_311 = tpu.memref_squeeze %dma_wait3A_310 : memref<1x1x32xi32, #tpu.memory_space<vmem>> -> memref<32xi32, #tpu.memory_space<vmem>>
        %dma_wait3A_312 = arith.constant 0 : i32
        %dma_wait3A_313 = arith.constant 0 : i32
        %dma_wait3A_314 = tpu.memref_slice %arg10[%dma_wait3A_312, %dma_wait3A_313] : memref<10240x128xf32, #tpu.memory_space<vmem_shared>> -> memref<10240x128xf32, #tpu.memory_space<vmem_shared>>
        tpu.wait_indirect_dma semaphore(%run_scoped3A_294 : memref<!tpu.dma_semaphore, #tpu.memory_space<semaphore_mem>>) src(%dma_wait3A_308 : memref<32x128xf32, #tpu.memory_space<vmem>>) dst(%dma_wait3A_314 : memref<10240x128xf32, #tpu.memory_space<vmem_shared>>)
        tpu.yield
      }) : () -> ()
      %add3A_287 = arith.constant 5 : i32
      %add3A_288 = arith.addi %add3A_269, %add3A_287 : i32
      %lt3A_289 = arith.constant 625 : i32
      %lt3A_290 = arith.cmpi slt, %add3A_288, %lt3A_289 : i32
      %convert_element_type3A_291 = arith.extui %lt3A_290 : i1 to i32
      %cond3A_292 = arith.constant 0 : i32
      %cond3A_293 = arith.cmpi ne, %convert_element_type3A_291, %cond3A_292 : i32
      scf.if %cond3A_293 {
        %add3A_294 = arith.constant 1 : i32
        %add3A_295 = arith.addi %scan3A_131, %add3A_294 : i32
        %jit3A_296 = arith.constant 4 : i32
        %eq3A_297 = arith.constant 0 : i32
        %eq3A_298 = arith.cmpi eq, %jit3A_296, %eq3A_297 : i32
        %jit3A_299 = arith.constant 1 : i32
        %select_n3A_300 = arith.select %eq3A_298, %jit3A_299, %jit3A_296 : i32
        %rem3A_301 = arith.remsi %add3A_295, %select_n3A_300 : i32
        %ne3A_302 = arith.constant 0 : i32
        %ne3A_303 = arith.cmpi ne, %rem3A_301, %ne3A_302 : i32
        %lt3A_304 = arith.constant 0 : i32
        %lt3A_305 = arith.cmpi slt, %rem3A_301, %lt3A_304 : i32
        %lt3A_306 = arith.constant 0 : i32
        %lt3A_307 = arith.cmpi slt, %select_n3A_300, %lt3A_306 : i32
        %ne3A_308 = arith.xori %lt3A_305, %lt3A_307 : i1
        %and3A_309 = arith.andi %ne3A_308, %ne3A_303 : i1
        %add3A_310 = arith.addi %rem3A_301, %select_n3A_300 : i32
        %select_n3A_311 = arith.select %and3A_309, %add3A_310, %rem3A_301 : i32
        %select_n3A_312 = arith.constant false
        %select_n3A_313 = arith.select %select_n3A_312, %select_n3A_154, %select_n3A_311 : i32
        %dma_start3A_314 = arith.constant 4 : i32
        %dma_start3A_315 = arith.constant 4 : i32
        %dma_start3A_316 = arith.constant 4 : i32
        %dma_start3A_317 = arith.constant 0 : i32
        %dma_start3A_318 = arith.constant 0 : i32
        %dma_start3A_319 = tpu.memref_slice %arg9[%dma_start3A_315, %dma_start3A_317, %dma_start3A_318] : memref<5x32x128xf32, #tpu.memory_space<vmem>> -> memref<1x32x128xf32, #tpu.memory_space<vmem>>
        %dma_start3A_320 = tpu.memref_squeeze %dma_start3A_319 : memref<1x32x128xf32, #tpu.memory_space<vmem>> -> memref<32x128xf32, #tpu.memory_space<vmem>>
        %dma_start3A_321 = arith.constant 0 : i32
        %dma_start3A_322 = tpu.memref_slice %arg7[%select_n3A_313, %dma_start3A_314, %dma_start3A_321] : memref<4x5x32xi32, #tpu.memory_space<vmem>> -> memref<1x1x32xi32, #tpu.memory_space<vmem>>
        %dma_start3A_323 = tpu.memref_squeeze %dma_start3A_322 : memref<1x1x32xi32, #tpu.memory_space<vmem>> -> memref<32xi32, #tpu.memory_space<vmem>>
        %dma_start3A_324 = arith.constant 0 : i32
        %dma_start3A_325 = arith.constant 0 : i32
        %dma_start3A_326 = tpu.memref_slice %arg2[%dma_start3A_324, %dma_start3A_325] : memref<80000x128xf32, #tpu.memory_space<hbm>> -> memref<80000x128xf32, #tpu.memory_space<hbm>>
        %dma_start3A_327 = tpu.memref_slice %arg11[%dma_start3A_316] : memref<5x!tpu.dma_semaphore, #tpu.memory_space<semaphore_mem>> -> memref<1x!tpu.dma_semaphore, #tpu.memory_space<semaphore_mem>>
        %dma_start3A_328 = tpu.memref_squeeze %dma_start3A_327 : memref<1x!tpu.dma_semaphore, #tpu.memory_space<semaphore_mem>> -> memref<!tpu.dma_semaphore, #tpu.memory_space<semaphore_mem>>
        tpu.enqueue_indirect_dma source(%dma_start3A_326 : memref<80000x128xf32, #tpu.memory_space<hbm>>) target(%dma_start3A_320 : memref<32x128xf32, #tpu.memory_space<vmem>>) offsets(%dma_start3A_323 : memref<32xi32, #tpu.memory_space<vmem>>) semaphore(%dma_start3A_328 : memref<!tpu.dma_semaphore, #tpu.memory_space<semaphore_mem>>)
      } else {
      }
    }
    %scan3A_123 = arith.constant 125 : i32
    %barrier3A_124 = arith.constant 0 : index
    tpu.barrier barrier_id(%barrier3A_124)
    %mul3A_125 = arith.constant 624 : i32
    %mul3A_126 = arith.muli %arg1, %mul3A_125 : i32
    %mul3A_127 = arith.constant 624 : i32
    %mul3A_128 = arith.muli %arg1, %mul3A_127 : i32
    "tpu.region"() ({
      %run_scoped3A_131 = tpu.sem_alloc : memref<!tpu.dma_semaphore, #tpu.memory_space<semaphore_mem>>
      %dma_start3A_132 = arith.constant 0 : i32
      %dma_start3A_133 = tpu.memref_slice %arg6[%mul3A_128, %dma_start3A_132] : memref<10000x128xf32, #tpu.memory_space<hbm>> -> memref<624x128xf32, #tpu.memory_space<hbm>>
      %dma_start3A_134 = arith.constant 0 : i32
      %dma_start3A_135 = tpu.memref_slice %arg10[%mul3A_126, %dma_start3A_134] : memref<10240x128xf32, #tpu.memory_space<vmem_shared>> -> memref<624x128xf32, #tpu.memory_space<vmem_shared>>
      tpu.enqueue_dma source(%dma_start3A_135 : memref<624x128xf32, #tpu.memory_space<vmem_shared>>) target(%dma_start3A_133 : memref<624x128xf32, #tpu.memory_space<hbm>>) target_semaphore(%run_scoped3A_131 : memref<!tpu.dma_semaphore, #tpu.memory_space<semaphore_mem>>)
      %dma_wait3A = arith.constant 0 : i32
      %dma_wait3A_136 = tpu.memref_slice %arg6[%mul3A_128, %dma_wait3A] : memref<10000x128xf32, #tpu.memory_space<hbm>> -> memref<624x128xf32, #tpu.memory_space<hbm>>
      %dma_wait3A_137 = arith.constant 0 : i32
      %dma_wait3A_138 = tpu.memref_slice %arg10[%mul3A_126, %dma_wait3A_137] : memref<10240x128xf32, #tpu.memory_space<vmem_shared>> -> memref<624x128xf32, #tpu.memory_space<vmem_shared>>
      tpu.wait_dma2 semaphore(%run_scoped3A_131 : memref<!tpu.dma_semaphore, #tpu.memory_space<semaphore_mem>>) src(%dma_wait3A_138 : memref<624x128xf32, #tpu.memory_space<vmem_shared>>) dst(%dma_wait3A_136 : memref<624x128xf32, #tpu.memory_space<hbm>>)
      tpu.yield
    }) : () -> ()
    %eq3A = arith.constant 15 : i32
    %eq3A_129 = arith.cmpi eq, %arg1, %eq3A : i32
    %convert_element_type3A = arith.extui %eq3A_129 : i1 to i32
    %cond3A = arith.constant 0 : i32
    %cond3A_130 = arith.cmpi ne, %convert_element_type3A, %cond3A : i32
    scf.if %cond3A_130 {
      "tpu.region"() ({
        %run_scoped3A_131 = tpu.sem_alloc : memref<!tpu.dma_semaphore, #tpu.memory_space<semaphore_mem>>
        %dma_start3A_132 = arith.constant 9984 : i32
        %dma_start3A_133 = arith.constant 0 : i32
        %dma_start3A_134 = tpu.memref_slice %arg6[%dma_start3A_132, %dma_start3A_133] : memref<10000x128xf32, #tpu.memory_space<hbm>> -> memref<16x128xf32, #tpu.memory_space<hbm>>
        %dma_start3A_135 = arith.constant 9984 : i32
        %dma_start3A_136 = arith.constant 0 : i32
        %dma_start3A_137 = tpu.memref_slice %arg10[%dma_start3A_135, %dma_start3A_136] : memref<10240x128xf32, #tpu.memory_space<vmem_shared>> -> memref<16x128xf32, #tpu.memory_space<vmem_shared>>
        tpu.enqueue_dma source(%dma_start3A_137 : memref<16x128xf32, #tpu.memory_space<vmem_shared>>) target(%dma_start3A_134 : memref<16x128xf32, #tpu.memory_space<hbm>>) target_semaphore(%run_scoped3A_131 : memref<!tpu.dma_semaphore, #tpu.memory_space<semaphore_mem>>)
        %dma_wait3A = arith.constant 9984 : i32
        %dma_wait3A_138 = arith.constant 0 : i32
        %dma_wait3A_139 = tpu.memref_slice %arg6[%dma_wait3A, %dma_wait3A_138] : memref<10000x128xf32, #tpu.memory_space<hbm>> -> memref<16x128xf32, #tpu.memory_space<hbm>>
        %dma_wait3A_140 = arith.constant 9984 : i32
        %dma_wait3A_141 = arith.constant 0 : i32
        %dma_wait3A_142 = tpu.memref_slice %arg10[%dma_wait3A_140, %dma_wait3A_141] : memref<10240x128xf32, #tpu.memory_space<vmem_shared>> -> memref<16x128xf32, #tpu.memory_space<vmem_shared>>
        tpu.wait_dma2 semaphore(%run_scoped3A_131 : memref<!tpu.dma_semaphore, #tpu.memory_space<semaphore_mem>>) src(%dma_wait3A_142 : memref<16x128xf32, #tpu.memory_space<vmem_shared>>) dst(%dma_wait3A_139 : memref<16x128xf32, #tpu.memory_space<hbm>>)
        tpu.yield
      }) : () -> ()
    } else {
    }
    return
  }
}

module attributes {stable_mosaic.version = 14 : i64} {
  func.func @body(%arg0: memref<2500x128xi32, #tpu.memory_space<vmem>>, %arg1: memref<2500x128xi32, #tpu.memory_space<vmem>>, %arg2: memref<2500x128xi32, #tpu.memory_space<vmem>>) attributes {dimension_semantics = [], scalar_prefetch = 0 : i64, scratch_operands = 0 : i64, tpu.core_type = #tpu.core_type<tc>} {
    %get3A = arith.constant 0 : index
    %get3A_0 = arith.constant 0 : index
    %get3A_1 = vector.load %arg1[%get3A, %get3A_0] : memref<2500x128xi32, #tpu.memory_space<vmem>>, vector<2500x128xi32>
    %mul3A = arith.constant 10000 : i32
    %mul3A_2 = vector.broadcast %mul3A : i32 to vector<2500x128xi32>
    %mul3A_3 = arith.muli %get3A_1, %mul3A_2 : vector<2500x128xi32>
    %get3A_4 = arith.constant 0 : index
    %get3A_5 = arith.constant 0 : index
    %get3A_6 = vector.load %arg0[%get3A_4, %get3A_5] : memref<2500x128xi32, #tpu.memory_space<vmem>>, vector<2500x128xi32>
    %add3A = arith.addi %mul3A_3, %get3A_6 : vector<2500x128xi32>
    %swap3A = arith.constant 0 : index
    %swap3A_7 = arith.constant 0 : index
    %swap3A_8 = vector.load %arg2[%swap3A, %swap3A_7] : memref<2500x128xi32, #tpu.memory_space<vmem>>, vector<2500x128xi32>
    tpu.vector_store %arg2[%swap3A, %swap3A_7], %add3A {strides = array<i32>} : memref<2500x128xi32, #tpu.memory_space<vmem>>, vector<2500x128xi32>,
    return
  }
}

module attributes {stable_mosaic.version = 14 : i64} {
  func.func @body(%arg0: i32, %arg1: memref<10000x128xf32, #tpu.memory_space<vmem>>, %arg2: memref<1x128x128xf32, #tpu.memory_space<vmem>>, %arg3: memref<10000x128xf32, #tpu.memory_space<vmem>>) attributes {dimension_semantics = [#tpu.dimension_semantics<arbitrary>], iteration_bounds = array<i64: 8>, scalar_prefetch = 0 : i64, scratch_operands = 0 : i64, tpu.core_type = #tpu.core_type<tc>, window_params = [{pipeline_mode = #tpu.pipeline_mode<synchronous>, transform_indices = @transform_0, window_bounds = array<i64: 10000, 128>}, {transform_indices = @transform_1, window_bounds = array<i64: 1, 128, 128>}, {transform_indices = @transform_2, window_bounds = array<i64: 10000, 128>}]} {
    %get3A = arith.constant 0 : index
    %get3A_0 = arith.constant 0 : index
    %get3A_1 = vector.load %arg1[%get3A, %get3A_0] : memref<10000x128xf32, #tpu.memory_space<vmem>>, vector<10000x128xf32>
    %get3A_2 = arith.constant 0 : index
    %get3A_3 = arith.constant 0 : index
    %get3A_4 = arith.constant 0 : index
    %get3A_5 = vector.load %arg2[%get3A_2, %get3A_3, %get3A_4] : memref<1x128x128xf32, #tpu.memory_space<vmem>>, vector<1x128x128xf32>
    %get3A_6 = vector.shape_cast %get3A_5 : vector<1x128x128xf32> to vector<128x128xf32>
    %dot_general3A = arith.constant dense<0.000000e+00> : vector<10000x128xf32>
    %dot_general3A_7 = tpu.matmul %get3A_1, %get3A_6, %dot_general3A {dimension_numbers = #tpu.dot_dimension_numbers<[1], [0], [0], [1], [0, 0, 1, 1], [], []>, transpose_lhs_hint = false} : vector<10000x128xf32>, vector<128x128xf32>, vector<10000x128xf32> -> vector<10000x128xf32>
    %swap3A = arith.constant 0 : index
    %swap3A_8 = arith.constant 0 : index
    %swap3A_9 = vector.load %arg3[%swap3A, %swap3A_8] : memref<10000x128xf32, #tpu.memory_space<vmem>>, vector<10000x128xf32>
    tpu.vector_store %arg3[%swap3A, %swap3A_8], %dot_general3A_7 {strides = array<i32>} : memref<10000x128xf32, #tpu.memory_space<vmem>>, vector<10000x128xf32>,
    return
  }
  func.func @transform_0(%arg0: i32) -> (i32, i32) {
    %c0_i32 = arith.constant 0 : i32
    %c0_i32_0 = arith.constant 0 : i32
    %c0_i32_1 = arith.constant 0 : i32
    return %c0_i32, %c0_i32_0 : i32, i32
  }
  func.func @transform_1(%arg0: i32) -> (i32, i32, i32) {
    %c0_i32 = arith.constant 0 : i32
    %c0_i32_0 = arith.constant 0 : i32
    %c0_i32_1 = arith.constant 0 : i32
    return %arg0, %c0_i32, %c0_i32_0 : i32, i32, i32
  }
  func.func @transform_2(%arg0: i32) -> (i32, i32) {
    %c0_i32 = arith.constant 0 : i32
    %c0_i32_0 = arith.constant 0 : i32
    return %arg0, %c0_i32 : i32, i32
  }
}

</mosaic_0001>

<sc_bundles>
// kernel: kernel.5.cloned.1.call-start
scs
__scs_entry_jumppad:
0x0: {  	(pc) =	sbr.rel $0x88, $3  }
0x1: {  	(tag) =	ssettag $0x0;
	lr =	simm.s32 $0x1  }
0x2: {  	[smem:$0x3F9D] =	sst lr;
	_ =	strace $0xD0000000  }
0x3: {  	_ = 	snop  }
0x4: {  	_ = 	snop  }
0x5: {  	_ = 	snop  }
0x6: {  	_ = 	snop  }
0x7: {  	_ = 	snop  }
__scs_overlays_trampoline_lowered:
0x8: {  	[smem:$0x3FAC] =	sst s0  }
0x9: {  	[smem:$0x3FAD] =	sst s1  }
0xa: {  	[smem:$0x3FAE] =	sst s2  }
0xb: {  	[smem:$0x3FAF] =	sst s3  }
0xc: {  	[smem:$0x3FB0] =	sst s4  }
0xd: {  	[smem:$0x3FB1] =	sst s5  }
0xe: {  	[smem:$0x3FB2] =	sst s6  }
0xf: {  	[smem:$0x3FB3] =	sst s7  }
0x10: {  	[smem:$0x3FB4] =	sst s8  }
0x11: {  	[smem:$0x3FB5] =	sst s9;
	s0 =	simm.s32 @!p0 $0x0  }
0x12: {  	s1 =	sld [smem:$0x3F9B];
	s0 =	simm.s32 @p0 $0x1  }
0x13: {  	[smem:$0x3FB6] =	sst s0;
	s0 =	simm.s32 @!p1 $0x0  }
0x14: {  	s2 =	sld [smem:$0x3F9A];
	s0 =	simm.s32 @p1 $0x1  }
0x15: {  	[smem:$0x3FB7] =	sst s0;
	s0 =	simm.s32 @!p2 $0x0  }
0x16: {  	s3 =	sld [smem:$0x3FDB];
	s0 =	simm.s32 @p2 $0x1  }
0x17: {  	s4 =	simm.s32 $0x1BF5;
	[smem:$0x3FB9] =	sst s0  }
0x18: {  	s0 =	sld [smem:$0x3F9C];
	_ =	swait.ge [sflag:s4], $0x0  }
0x19: {  	s7 =	sld [smem:$0x3F9D]  }
0x1a: {  	s8 =	sadd.s32 $0xFFFFE003, lr  }
0x1b: {  	s9 =	sadd.s32 $0xFFFFFEF7, lr;
	s5 =	simm.s32 $0xFFFFFFFF;
	p2 =	slt.u32 s8, $0xFFFFF086  }
0x1c: {  	p1 =	slt.u32 s9, $0xF7A;
	s5 =	simm.s32 @!p2 $0x0  }
0x1d: {  	s5 =	simm.s32 @p1 $0x1;
	p0 =	seq.s32 s7, s2  }
0x1e: {  	s7 =	smul.u32 @!p0 $0xF7A, s2;
	p2 =	seq.s32 @!p0 s5, $0x0  }
0x1f: {  	s9 =	smul.u32 $0xF7A, s1;
	s8 =	simm.s32 @!p0 $0x1BF5;
	p2 =	por !p2, p0  }
0x20: {  	[sflag:s8] =	ssyncset.s32 @!p0 $0xFFFFF086;
	s6 =	sadd.s32 @!p0 s3, s7;
	s7 =	simm.s32 @!p0 $0x108  }
0x21: {  	s3 =	sadd.s32 s3, s9;
	s6 =	sadd.s32 @!p0 $0x88, s6;
	s7 =	simm.s32 @p2 $0x1082  }
0x22: {  	[simem:s7], [sflag:s8] =	dma.local @!p0 [hbm:s6], $0xF7A  }
0x23: {  	s9 =	sor.u32 $0xD0000000, s2;
	s6 =	simm.s32 $0x108;
	_ =	swait.ge @!p0 [sflag:s8], $0x0  }
0x24: {  	s3 =	sadd.s32 $0x88, s3;
	s6 =	simm.s32 @!p1 $0x1082;
	[sflag:s4] =	ssyncset.s32 $0xFFFFF086  }
0x25: {  	[simem:s6], [sflag:s4] =	dma.local [hbm:s3], $0xF7A  }
0x26: {  	[smem:$0x3F9D] =	sst s1;
	(tag) =	ssettag s2;
	_ =	strace s9  }
0x27: {  	s1 =	sld [smem:$0x3FAD]  }
0x28: {  	s2 =	sld [smem:$0x3FAE]  }
0x29: {  	s4 =	sld [smem:$0x3FB0]  }
0x2a: {  	p0 =	seq.s32 s5, $0x0;
	s5 =	sld [smem:$0x3FB1]  }
0x2b: {  	s6 =	sld [smem:$0x3FB2]  }
0x2c: {  	s7 =	sld [smem:$0x3FB3]  }
0x2d: {  	s3 =	simm.s32 $0x108;
	s8 =	sld [smem:$0x3FB4]  }
0x2e: {  	s3 =	simm.s32 @!p0 $0x1082;
	s9 =	sld [smem:$0x3FB5]  }
0x2f: {  	lr =	sadd.s32 s0, s3;
	s0 =	sld [smem:$0x3FAC]  }
0x30: {  	s3 =	sld [smem:$0x3FAF]  }
0x31: {  	[smem:$0x3FB8] =	sst s10  }
0x32: {  	s10 =	sld [smem:$0x3FB6];
	_ =	sdelay $0x3  }
0x33: {  	p0 =	seq.s32 s10, $0x1;
	s10 =	sld [smem:$0x3FB8];
	_ =	sdelay $0x3  }
0x34: {  	[smem:$0x3FB8] =	sst s10  }
0x35: {  	s10 =	sld [smem:$0x3FB7];
	_ =	sdelay $0x3  }
0x36: {  	p1 =	seq.s32 s10, $0x1;
	s10 =	sld [smem:$0x3FB8];
	_ =	sdelay $0x3  }
0x37: {  	[smem:$0x3FB8] =	sst s10  }
0x38: {  	s10 =	sld [smem:$0x3FB9]  }
0x39: {  	_ = 	snop;
	(pc) =	sbr.ind lr, $3  }
0x3a: {  	_ = 	snop  }
0x3b: {  	_ = 	snop  }
0x3c: {  	p2 =	seq.s32 s10, $0x1;
	s10 =	sld [smem:$0x3FB8]  }
0x3d: {  	_ =	shalt  }
0x3e: {  	_ =	shalt  }
0x3f: {  	_ =	shalt  }
0x40: {  	_ =	shalt  }
0x41: {  	_ =	shalt  }
0x42: {  	_ =	shalt  }
0x43: {  	_ =	shalt  }
0x44: {  	_ =	shalt  }
0x45: {  	_ =	shalt  }
0x46: {  	_ =	shalt  }
0x47: {  	_ =	shalt  }
0x48: {  	_ =	shalt  }
0x49: {  	_ =	shalt  }
0x4a: {  	_ =	shalt  }
0x4b: {  	_ =	shalt  }
0x4c: {  	_ =	shalt  }
0x4d: {  	_ =	shalt  }
0x4e: {  	_ =	shalt  }
0x4f: {  	_ =	shalt  }
0x50: {  	_ =	shalt  }
0x51: {  	_ =	shalt  }
0x52: {  	_ =	shalt  }
0x53: {  	_ =	shalt  }
0x54: {  	_ =	shalt  }
0x55: {  	_ =	shalt  }
0x56: {  	_ =	shalt  }
0x57: {  	_ =	shalt  }
0x58: {  	_ =	shalt  }
0x59: {  	_ =	shalt  }
0x5a: {  	_ =	shalt  }
0x5b: {  	_ =	shalt  }
0x5c: {  	_ =	shalt  }
0x5d: {  	_ =	shalt  }
0x5e: {  	_ =	shalt  }
0x5f: {  	_ =	shalt  }
0x60: {  	_ =	shalt  }
0x61: {  	_ =	shalt  }
0x62: {  	_ =	shalt  }
0x63: {  	_ =	shalt  }
0x64: {  	_ =	shalt  }
0x65: {  	_ =	shalt  }
0x66: {  	_ =	shalt  }
0x67: {  	_ =	shalt  }
0x68: {  	_ =	shalt  }
0x69: {  	_ =	shalt  }
0x6a: {  	_ =	shalt  }
0x6b: {  	_ =	shalt  }
0x6c: {  	_ =	shalt  }
0x6d: {  	_ =	shalt  }
0x6e: {  	_ =	shalt  }
0x6f: {  	_ =	shalt  }
0x70: {  	_ =	shalt  }
0x71: {  	_ =	shalt  }
0x72: {  	_ =	shalt  }
0x73: {  	_ =	shalt  }
0x74: {  	_ =	shalt  }
0x75: {  	_ =	shalt  }
0x76: {  	_ =	shalt  }
0x77: {  	_ =	shalt  }
0x78: {  	_ =	shalt  }
0x79: {  	_ =	shalt  }
0x7a: {  	_ =	shalt  }
0x7b: {  	_ =	shalt  }
0x7c: {  	_ =	shalt  }
0x7d: {  	_ =	shalt  }
0x7e: {  	_ =	shalt  }
0x7f: {  	_ =	shalt  }
0x80: {  	_ =	shalt  }
0x81: {  	_ =	shalt  }
0x82: {  	_ =	shalt  }
0x83: {  	_ =	shalt  }
0x84: {  	_ =	shalt  }
0x85: {  	_ =	shalt  }
0x86: {  	_ =	shalt  }
0x87: {  	_ =	shalt  }
.Lfunc_end0:
.L_simem_size_0:
called_computation_lowered:
.L_overlay_start_0:
0x88: {  	s0 =	sld [smem:$0x3FD9]  }
0x89: {  	s1 =	sld [smem:$0x3FFE];
	_ =	sdelay $0x3  }
0x8a: {  	s0 =	sadd.s32 s1, s0  }
0x8b: {  	[smem:$0x3FC4] =	sst s0  }
0x8c: {  	_ = 	snop  }
0x8d: {  	s0 =	sld [smem:$0x3FD0];
	(tm) =	ssettm $0x1  }
0x8e: {  	s16 =	sld [smem:$0x3FFB];
	_ =	sdelay $0x3  }
0x8f: {  	_ =	strace s16  }
0x90: {  	s1 =	sld [smem:$0x3FFC];
	_ =	sdelay $0x3  }
0x91: {  	_ =	strace s1  }
0x92: {  	s1 =	sld [smem:$0x3FFD];
	_ =	sdelay $0x3  }
0x93: {  	_ =	strace s1  }
0x94: {  	_ =	strace $0x8FFFFFFF  }
0x95: {  	s17 =	sld [smem:$0x3FDB];
	_ =	sdelay $0x1  }
0x96: {  	s2 =	simm.s32 $_scs_section_size  }
0x97: {  	s3 =	simm.s32 $_size__tile_overlayer_lowered;
	s4 =	simm.s32 $_tile_overlayer_lowered  }
0x98: {  	s20 =	simm.s32 $0x1BFF;
	s19 =	sshll.u32 s4, $0x1;
	s1 =	sadd.s32 s2, s17  }
0x99: {  	s5 =	simm.s32 $0x0;
	s18 =	sshll.u32 s3, $0x1;
	s3 =	sadd.s32 s19, s1  }
0x9a: {  	[timem:s5], [sflag:s20] =	dma.local [hbm:s3], s18  }
0x9b: {  	_ =	swait.ge [sflag:s20], s18  }
0x9c: {  	s2 =	ssub.s32 $0x0, s18;
	[sflag:s20] =	ssyncset.done $0x0  }
0x9d: {  	[sflag:s20] =	ssyncadd.s32 s2;
	_ =	sdelay $0x1  }
0x9e: {  	s21 =	simm.s32 $0x1B8B  }
0x9f: {  	_ =	swait.ge [sflag:s21], $0x1  }
0xa0: {  	[sflag:s21] =	ssyncset.done $0x0  }
0xa1: {  	s23 =	simm.s32 $0x1B8E;
	s22 =	sld [smem:$0x3FFE];
	[sflag:s21] =	ssyncadd.s32 $0xFFFFFFFF  }
0xa2: {  	s24 =	simm.s32 $execute0_lowered;
	[smem:$0x3FD2] =	sst s23  }
0xa3: {  	s3 =	sshll.u32 s24, $0x1;
	_ =	strace $0x80000046;
	[dreg:$0x1] =	wrdreg $0xFFFFFFFF  }
0xa4: {  	s25 =	simm.s32 $_size_execute0_lowered;
	s1 =	sadd.s32 s1, s3;
	[dreg:$0x0] =	wrdreg $0x0  }
0xa5: {  	s3 =	sshll.u32 s25, $0x1;
	[dreg:$0x2] =	wrdreg s1  }
0xa6: {  	[dreg:$0x3] =	wrdreg s3  }
0xa7: {  	[dreg:$0x4] =	wrdreg $0xC0  }
0xa8: {  	_ =	task [dreg:s5], $0x5FFFF  }
0xa9: {  	[dreg:$0x1] =	wrdreg $0xFFFFFFFF  }
0xaa: {  	[dreg:$0x0] =	wrdreg $0x60  }
0xab: {  	[dreg:$0x2] =	wrdreg s22  }
0xac: {  	[dreg:$0x3] =	wrdreg s0  }
0xad: {  	[dreg:$0x4] =	wrdreg $0x70000  }
0xae: {  	[dreg:$0x5] =	wrdreg $0x9  }
0xaf: {  	_ =	task.clear_ibuf [dreg:s5], $0x6FFFF;
	_ =	strace $0x90000046  }
0xb0: {  	s26 =	simm.s32 $0x9;
	_ =	strace $0x80000048  }
0xb1: {  	_ =	swait.ge [sflag:s26], $0x1  }
0xb2: {  	[sflag:s26] =	ssyncadd.s32 $0xFFFFFFFF  }
0xb3: {  	_ =	strace $0x90000048  }
0xb4: {  	_ =	sfence  }
0xb5: {  	s28 =	sld [smem:$0x0];
	_ =	sdelay $0x1  }
0xb6: {  	s29 =	srdreg.scid  }
0xb7: {  	s30 =	sshll.u32 s29, $0xD;
	s31 =	sshrl.u32 s29, $0x2  }
0xb8: {  	s2 =	sand.u32 $0x4000, s30;
	s1 =	sand.u32 $0x1, s29;
	s0 =	sadd.s32 s31, s28  }
0xb9: {  	s1 =	sor.u32 s2, s1;
	s0 =	sshll.u32 s0, $0x11  }
0xba: {  	s0 =	sor.u32 s0, s1  }
0xbb: {  	s0 =	sadd.s32 $0x8F2B, s0  }
0xbc: {  	[sflag:s0] =	ssyncadd.remote.s32 $0x1  }
0xbd: {  	_ =	sfence.sel $0xFFFF  }
0xbe: {  	[dreg:$0x0] =	wrdreg $0xFFFFFFFF;
	(pc) =	sbr.abs _section_cstart, $3  }
0xbf: {  	[dreg:$0x1] =	wrdreg $0xFFFFFFFF  }
0xc0: {  	_ =	task.clear_ibuf [dreg:s5], $0x2FFFF;
	_ =	strace $0x9FFFFFFF  }
0xc1: {  	(tm) =	ssettm $0x7FFFFFFF  }
tec
execute0_lowered:
.L_overlay_start_1:
0x0: {  	(tag) =	ssettag $0x1  }
0x1: {  	s10 =	rddreg [dreg:$0x0];
	s0 =	stileid.u32  }
0x2: {  	s2 =	rddreg [dreg:$0x1];
	s5 =	smul.u32 $0x1F400, s0  }
0x3: {  	s3 =	rddreg [dreg:$0x2];
	s4 =	simm.s32 $0x0  }
0x4: {  	[smem:$0x7FF] =	sst s4;
	s12 =	sadd.s32 $0x800, s10;
	s11 =	sshrl.u32 s5, $0x3  }
0x5: {  	s1 =	rddreg [dreg:$0x3];
	_ =	strace $0x80000047;
	s5 =	sadd.s32 s12, s11  }
0x6: {  	[tilespmem:s4], [sflag:$0x7] =	stream.linear.gather [hbm4b:s5+s4], $0x280, $0x38;
	[tilespmem:$0x1B000] =	vst v63  }
0x7: {  	s5 =	simm.s32 $0x7  }
0x8: {  	_ =	swait.ge [sflag:s5], $0x280  }
0x9: {  	s13 =	sadd.s32 $0x3F000, s10;
	[sflag:s5] =	ssyncset.done $0x0  }
0xa: {  	s7 =	simm.s32 $0x1000;
	s6 =	sadd.s32 s13, s11;
	[sflag:s5] =	ssyncadd.s32 $0xFFFFFD80  }
0xb: {  	[tilespmem:s7], [sflag:$0x7] =	stream.linear.gather [hbm4b:s6+s4], $0x280, $0x38;
	[tilespmem:$0x1B000] =	vst v63  }
0xc: {  	_ =	swait.ge [sflag:s5], $0x280  }
0xd: {  	s8 =	simm.s32 $0x2000;
	[sflag:s5] =	ssyncset.done $0x0  }
0xe: {  	s6 =	sadd.s32 $0x7D800, s10;
	s7 =	simm.s32 $0x20;
	[sflag:s5] =	ssyncadd.s32 $0xFFFFFD80  }
0xf: {  	[tilespmem:s8], [sflag:$0x1] =	stream.indirect.gather [hbm4b:s6+s7], $0x80, s4, s7, $0xb8;
	[tilespmem:$0x1B000] =	vst v63  }
0x10: {  	s9 =	simm.s32 $0x80;
	s14 =	simm.s32 $0x3000;
	s20 =	simm.s32 $0x100  }
0x11: {  	[tilespmem:s14], [sflag:$0x2] =	stream.indirect.gather [hbm4b:s6+s7], $0x80, s9, s7, $0xb8;
	[tilespmem:$0x1B000] =	vst v63  }
0x12: {  	s21 =	simm.s32 $0x180;
	s15 =	simm.s32 $0x5000;
	s9 =	simm.s32 $0x4000  }
0x13: {  	[tilespmem:s9], [sflag:$0x3] =	stream.indirect.gather [hbm4b:s6+s7], $0x80, s20, s7, $0xb8;
	[tilespmem:$0x1B000] =	vst v63  }
0x14: {  	s23 =	simm.s32 $0x200;
	s17 =	simm.s32 $0x400;
	s26 =	simm.s32 $0x1400  }
0x15: {  	[tilespmem:s15], [sflag:$0x4] =	stream.indirect.gather [hbm4b:s6+s7], $0x80, s21, s7, $0xb8;
	[tilespmem:$0x1B000] =	vst v63  }
0x16: {  	s16 =	smul.u32 $0x50000, s0;
	s22 =	sadd.s32 $0x80, s11;
	s11 =	simm.s32 $0x6000  }
0x17: {  	[tilespmem:s11], [sflag:$0x5] =	stream.indirect.gather [hbm4b:s6+s7], $0x80, s23, s7, $0xb8;
	[tilespmem:$0x1B000] =	vst v63  }
0x18: {  	s29 =	sshll.u32 s0, $0x6;
	s25 =	sshrl.u32 s16, $0x2;
	s24 =	sadd.s32 s12, s22  }
0x19: {  	[tilespmem:s17], [sflag:$0x6] =	stream.linear.gather [hbm4b:s24+s4], $0x280, $0x38;
	[tilespmem:$0x1B000] =	vst v63  }
0x1a: {  	s30 =	sadd.s32 $0x1B6000, s10;
	s28 =	sadd.s32 s25, s3;
	s14 =	sadd.s32 s13, s22  }
0x1b: {  	[tilespmem:s26], [sflag:$0x6] =	stream.linear.gather [hbm4b:s14+s4], $0x280, $0x38;
	[tilespmem:$0x1B000] =	vst v63  }
0x1c: {  	s31 =	smul.u32 $0x3E80, s0;
	s10 =	sor.u32 $0x1C07, s29;
	s14 =	sshrl.u32 s28, $0x3  }
0x1d: {  	[spmem:s14], [sflag:s10] =	dma.local [hbm:s30], $0x2800  }
0x1e: {  	s16 =	simm.s32 $0x3;
	s13 =	sadd.s32 s31, s13;
	_ =	swait.ge [sflag:s5], $0x2800  }
0x1f: {  	s15 =	simm.s32 $0x1;
	s17 =	simm.s32 $0x5;
	[sflag:s5] =	ssyncset.done $0x0  }
0x20: {  	s14 =	sadd.s32 s31, s12;
	s12 =	sadd.s32 $0x100, s13;
	[sflag:s5] =	ssyncadd.s32 $0xFFFFD800  }
0x21: {  	s13 =	sadd.s32 $0x100, s14;
	s14 =	simm.s32 $0x800;
	[bflag:$0x0] =	sbarrier.arrive $0xFFFF  }
.LBB2_1:
0x22: {  	p0 =	seq.s32 s14, $0x1F800  }
0x23: {  	s18 =	simm.s32 @!p0 $0x6  }
0x24: {  	_ =	swait.ge @!p0 [sflag:s18], $0x280  }
0x25: {  	[sflag:s18] =	ssyncset.done @!p0 $0x0  }
0x26: {  	[sflag:s18] =	ssyncadd.s32 @!p0 $0xFFFFFD80  }
0x27: {  	p1 =	sgt.u32 @!p0 s4, $0x7A;
	_ =	swait.ge @!p0 [sflag:s18], $0x280  }
0x28: {  	p1 =	por p1, p0;
	[sflag:s18] =	ssyncset.done @!p0 $0x0  }
0x29: {  	s19 =	simm.s32 @!p1 $0x0;
	[sflag:s18] =	ssyncadd.s32 @!p0 $0xFFFFFD80;
	s18 =	sand.u32 @!p1 $0xC00, s14  }
0x2a: {  	[tilespmem:s18], [sflag:$0x6] =	stream.linear.gather @!p1 [hbm4b:s13+s19], $0x280, $0x38;
	[tilespmem:$0x1B000] =	vst v63  }
0x2b: {  	s18 =	sor.u32 @!p1 $0x1000, s18  }
0x2c: {  	[tilespmem:s18], [sflag:$0x6] =	stream.linear.gather @!p1 [hbm4b:s12+s19], $0x280, $0x38;
	[tilespmem:$0x1B000] =	vst v63  }
0x2d: {  	s29 =	sadd.s32 $0xFFFFF800, s14;
	_ =	swait.ge [sflag:s15], $0x1000  }
0x2e: {  	s18 =	sand.u32 $0xC00, s29;
	[sflag:s15] =	ssyncset.done $0x0  }
0x2f: {  	s30 =	sor.u32 $0x1000, s18;
	[sflag:s15] =	ssyncadd.s32 $0xFFFFF000  }
0x30: {  	[spmem:s3] =	stream.indirect.scatter.add.f32 [tilespmem:s8], [sflag:$0x7], $0x80, s30, s7, $0xb8;
	[tilespmem:$0x1B000] =	vst v63  }
0x31: {  	_ =	swait.ge [sflag:s5], $0x1000  }
0x32: {  	[sflag:s5] =	ssyncset.done $0x0  }
0x33: {  	s19 =	simm.s32 @p0 $0x2;
	[sflag:s5] =	ssyncadd.s32 $0xFFFFF000  }
0x34: {  	_ =	swait.ge @p0 [sflag:s19], $0x1000  }
0x35: {  	s20 =	simm.s32 @p0 $0x20;
	[sflag:s19] =	ssyncset.done @p0 $0x0  }
0x36: {  	s21 =	simm.s32 @p0 $0x3000;
	[sflag:s19] =	ssyncadd.s32 @p0 $0xFFFFF000;
	s19 =	sadd.s32 @p0 $0x1080, s18  }
0x37: {  	[spmem:s3] =	stream.indirect.scatter.add.f32 @p0 [tilespmem:s21], [sflag:$0x7], $0x80, s19, s20, $0xb8;
	[tilespmem:$0x1B000] =	vst v63  }
0x38: {  	s19 =	simm.s32 @p0 $0x7  }
0x39: {  	_ =	swait.ge @p0 [sflag:s19], $0x1000  }
0x3a: {  	s22 =	simm.s32 @!p0 $0x20;
	s21 =	sadd.s32 @!p0 $0xFFFFFC00, s14;
	[sflag:s19] =	ssyncset.done @p0 $0x0  }
0x3b: {  	s23 =	simm.s32 @!p0 $0x2000;
	s21 =	sand.u32 @!p0 $0xC00, s21;
	[sflag:s19] =	ssyncadd.s32 @p0 $0xFFFFF000  }
0x3c: {  	[tilespmem:s23], [sflag:$0x1] =	stream.indirect.gather @!p0 [hbm4b:s6+s22], $0x80, s21, s22, $0xb8;
	[tilespmem:$0x1B000] =	vst v63  }
0x3d: {  	s23 =	simm.s32 @!p0 $0x2  }
0x3e: {  	_ =	swait.ge @!p0 [sflag:s23], $0x1000  }
0x3f: {  	[sflag:s23] =	ssyncset.done @!p0 $0x0  }
0x40: {  	s24 =	simm.s32 @!p0 $0x3000;
	[sflag:s23] =	ssyncadd.s32 @!p0 $0xFFFFF000;
	s23 =	sadd.s32 @!p0 $0x1080, s18  }
0x41: {  	[spmem:s3] =	stream.indirect.scatter.add.f32 @!p0 [tilespmem:s24], [sflag:$0x7], $0x80, s23, s22, $0xb8;
	[tilespmem:$0x1B000] =	vst v63  }
0x42: {  	s23 =	simm.s32 @!p0 $0x7  }
0x43: {  	_ =	swait.ge @!p0 [sflag:s23], $0x1000  }
0x44: {  	[sflag:s23] =	ssyncset.done @!p0 $0x0  }
0x45: {  	s25 =	sor.u32 @!p0 $0x80, s21;
	[sflag:s23] =	ssyncadd.s32 @!p0 $0xFFFFF000  }
0x46: {  	[tilespmem:s24], [sflag:$0x2] =	stream.indirect.gather @!p0 [hbm4b:s6+s22], $0x80, s25, s22, $0xb8;
	[tilespmem:$0x1B000] =	vst v63  }
0x47: {  	_ =	swait.ge [sflag:s16], $0x1000  }
0x48: {  	[sflag:s16] =	ssyncset.done $0x0  }
0x49: {  	s31 =	sadd.s32 $0x1100, s18;
	[sflag:s16] =	ssyncadd.s32 $0xFFFFF000  }
0x4a: {  	[spmem:s3] =	stream.indirect.scatter.add.f32 [tilespmem:s9], [sflag:$0x7], $0x80, s31, s7, $0xb8;
	[tilespmem:$0x1B000] =	vst v63  }
0x4b: {  	_ =	swait.ge [sflag:s5], $0x1000  }
0x4c: {  	[sflag:s5] =	ssyncset.done $0x0  }
0x4d: {  	s24 =	simm.s32 @p0 $0x4;
	[sflag:s5] =	ssyncadd.s32 $0xFFFFF000  }
0x4e: {  	_ =	swait.ge @p0 [sflag:s24], $0x1000  }
0x4f: {  	[sflag:s24] =	ssyncset.done @p0 $0x0  }
0x50: {  	s25 =	simm.s32 @p0 $0x5000;
	[sflag:s24] =	ssyncadd.s32 @p0 $0xFFFFF000;
	s24 =	sadd.s32 @p0 $0x1180, s18  }
0x51: {  	[spmem:s3] =	stream.indirect.scatter.add.f32 @p0 [tilespmem:s25], [sflag:$0x7], $0x80, s24, s20, $0xb8;
	[tilespmem:$0x1B000] =	vst v63  }
0x52: {  	_ =	swait.ge @p0 [sflag:s19], $0x1000  }
0x53: {  	[sflag:s19] =	ssyncset.done @p0 $0x0  }
0x54: {  	s20 =	simm.s32 @!p0 $0x4000;
	[sflag:s19] =	ssyncadd.s32 @p0 $0xFFFFF000;
	s19 =	sor.u32 @!p0 $0x100, s21  }
0x55: {  	[tilespmem:s20], [sflag:$0x3] =	stream.indirect.gather @!p0 [hbm4b:s6+s22], $0x80, s19, s22, $0xb8;
	[tilespmem:$0x1B000] =	vst v63  }
0x56: {  	s19 =	simm.s32 @!p0 $0x4  }
0x57: {  	_ =	swait.ge @!p0 [sflag:s19], $0x1000  }
0x58: {  	[sflag:s19] =	ssyncset.done @!p0 $0x0  }
0x59: {  	s20 =	simm.s32 @!p0 $0x5000;
	[sflag:s19] =	ssyncadd.s32 @!p0 $0xFFFFF000;
	s19 =	sadd.s32 @!p0 $0x1180, s18  }
0x5a: {  	[spmem:s3] =	stream.indirect.scatter.add.f32 @!p0 [tilespmem:s20], [sflag:$0x7], $0x80, s19, s22, $0xb8;
	[tilespmem:$0x1B000] =	vst v63  }
0x5b: {  	_ =	swait.ge @!p0 [sflag:s23], $0x1000  }
0x5c: {  	[sflag:s23] =	ssyncset.done @!p0 $0x0  }
0x5d: {  	s19 =	sor.u32 @!p0 $0x180, s21;
	[sflag:s23] =	ssyncadd.s32 @!p0 $0xFFFFF000  }
0x5e: {  	[tilespmem:s20], [sflag:$0x4] =	stream.indirect.gather @!p0 [hbm4b:s6+s22], $0x80, s19, s22, $0xb8;
	[tilespmem:$0x1B000] =	vst v63  }
0x5f: {  	s14 =	sadd.s32 @!p0 $0x400, s14;
	_ =	swait.ge [sflag:s17], $0x1000  }
0x60: {  	p1 =	sne.s32 @!p0 s14, $0x1FC00;
	[sflag:s17] =	ssyncset.done $0x0  }
0x61: {  	p1 =	por p0, !p1;
	s18 =	sadd.s32 $0x1200, s18;
	[sflag:s17] =	ssyncadd.s32 $0xFFFFF000  }
0x62: {  	[spmem:s3] =	stream.indirect.scatter.add.f32 [tilespmem:s11], [sflag:$0x7], $0x80, s18, s7, $0xb8;
	[tilespmem:$0x1B000] =	vst v63  }
.Ltmp0:
0x63: {  	_ = 	snop;
	(pc) =	sbr.rel @!p1 .LBB2_1-.Ltmp0, $4  }
0x64: {  	s4 =	sadd.s32 @!p0 $0x1, s4;
	_ =	swait.ge [sflag:s5], $0x1000  }
0x65: {  	s13 =	sadd.s32 @!p0 $0x80, s13;
	s12 =	sadd.s32 @!p0 $0x80, s12;
	[sflag:s5] =	ssyncset.done $0x0  }
0x66: {  	s19 =	simm.s32 @!p0 $0x6000;
	s18 =	sor.u32 @!p0 $0x200, s21;
	[sflag:s5] =	ssyncadd.s32 $0xFFFFF000  }
0x67: {  	[tilespmem:s19], [sflag:$0x5] =	stream.indirect.gather @!p0 [hbm4b:s6+s22], $0x80, s18, s22, $0xb8;
	[tilespmem:$0x1B000] =	vst v63  }
0x68: {  	s4 =	smul.u32 $0x4E000, s0;
	_ =	sdelay $0x1  }
0x69: {  	s5 =	smul.u32 $0x2700, s0;
	s4 =	sshrl.u32 s4, $0x2  }
0x6a: {  	[bflag:$0x0] =	sbarrier.arrive $0xFFFF;
	s4 =	sadd.s32 s4, s3  }
0x6b: {  	s31 =	simm.s32 $0x7;
	s5 =	sadd.s32 s2, s5;
	s4 =	sshrl.u32 s4, $0x3  }
0x6c: {  	[hbm:s5], [sflag:s10] =	dma.local [spmem:s4], $0x2700  }
0x6d: {  	p0 =	sne.s32 s0, $0xF;
	_ =	swait.ge [sflag:s31], $0x2700  }
0x6e: {  	s3 =	sadd.s32 @!p0 $0x138000, s3;
	[sflag:s31] =	ssyncset.done $0x0  }
0x6f: {  	s2 =	sadd.s32 @!p0 $0x27000, s2;
	s3 =	sshrl.u32 @!p0 s3, $0x3;
	[sflag:s31] =	ssyncadd.s32 $0xFFFFD900  }
0x70: {  	[hbm:s2], [sflag:s10] =	dma.local @!p0 [spmem:s3], $0x100  }
0x71: {  	s2 =	simm.s32 @!p0 $0x7  }
0x72: {  	_ =	swait.ge @!p0 [sflag:s2], $0x100  }
0x73: {  	[sflag:s2] =	ssyncset.done @!p0 $0x0  }
0x74: {  	[sflag:s2] =	ssyncadd.s32 @!p0 $0xFFFFFF00  }
0x75: {  	_ =	sfence.sel $0x180000  }
0x76: {  	[bflag:$0x0] =	sbarrier.arrive $0xFFFF  }
0x77: {  	p0 =	sne.s32 s0, $0x0;
	_ =	strace $0x90000047  }
0x78: {  	s0 =	sadd.s32 @!p0 $0x100000, s1;
	[bflag:$0x2] =	sbarrier.arrive $0xFFFF  }
0x79: {  	[sflag:s0] =	ssyncadd.tile.s32 @!p0 $0x1;
	_ =	shalt  }
.Lfunc_end2:
_tile_overlayer_lowered:
.L_overlay_start_2:
0x7a: {  	(tag) =	ssettag $0x2  }
0x7b: {  	s0 =	rddreg [dreg:$0x0];
	s2 =	stileid.u32  }
0x7c: {  	s1 =	rddreg [dreg:$0x1];
	p0 =	sne.s32 s2, $0x0  }
0x7d: {  	s3 =	rddreg [dreg:$0x2];
	[bflag:$0x3] =	sbarrier.arrive $0xFFFF;
	s2 =	simm.s32 @!p0 $0x1C07  }
0x7e: {  	[timem:s3], [sflag:s2] =	dma.local @!p0 [hbm:s0], s1  }
0x7f: {  	s0 =	simm.s32 @!p0 $0x7  }
0x80: {  	_ =	swait.ge @!p0 [sflag:s0], s1  }
0x81: {  	s1 =	ssub.s32 @!p0 $0x0, s1;
	[sflag:s0] =	ssyncset.done @!p0 $0x0  }
0x82: {  	[sflag:s0] =	ssyncadd.s32 @!p0 s1  }
0x83: {  	[bflag:$0x3] =	sbarrier.arrive $0xFFFF  }
0x84: {  	_ =	shalt  }

</sc_bundles>
